<compile_context>
chip_gen: v7x
topology: tpu7x:2x2x1
jax: 0.10.2.dev20260603
libtpu: 0.0.44.dev20260713+nightly
codegen_flags: <defaults>
</compile_context>

<pallas_src>
import functools

import jax
import jax.numpy as jnp
from jax import lax
from jax.experimental import pallas as pl
from jax.experimental.pallas import tpu as pltpu
from jax.experimental.pallas import tpu_sc as plsc

N = 10000
E = 320000
D = 128
DE = 16
ENF = 64

_INFO = plsc.get_sparse_core_info()
NC = _INFO.num_cores
NS = _INFO.num_subcores
NW = NC * NS
EPW = E // NW
CH = 80
HCH = CH // 2
NITER = EPW // CH
RPT = 624
RPT_LAST = N - 15 * RPT

_mesh = plsc.VectorSubcoreMesh(core_axis_name="c", subcore_axis_name="s")


def _proj_body(h_ref, w_ref, hst_ref):
    hst_ref[...] = jnp.dot(h_ref[...], w_ref[...],
                           preferred_element_type=jnp.float32)


def _project(h, wst):
    return pl.pallas_call(
        _proj_body,
        out_shape=jax.ShapeDtypeStruct((N, D), jnp.float32),
    )(h, wst)


@functools.partial(
    pl.kernel,
    mesh=_mesh,
    out_type=jax.ShapeDtypeStruct((E // 2, D), jnp.float32),
    scratch_types=[
        pltpu.VMEM((EPW,), jnp.int32),
        pltpu.VMEM((EPW,), jnp.int32),
        pltpu.VMEM((3, CH, D), jnp.float32),
        pltpu.VMEM((3, CH, D), jnp.float32),
        pltpu.VMEM((2, HCH, D), jnp.float32),
        pltpu.SemaphoreType.DMA((3,)),
        pltpu.SemaphoreType.DMA((3,)),
        pltpu.SemaphoreType.DMA((2,)),
    ],
)
def _gather_k(hst_hbm, row_hbm, col_hbm, u_hbm,
              idxr, idxc, g1, g2, ub, sem1, sem2, semu):
    wid = lax.axis_index("s") * NC + lax.axis_index("c")
    ebase = pl.multiple_of(wid * EPW, 8)
    pltpu.sync_copy(row_hbm.at[pl.ds(ebase, EPW)], idxr)
    pltpu.sync_copy(col_hbm.at[pl.ds(ebase, EPW)], idxc)
    ubase = wid * (EPW // 2)

    def start(i, s):
        pltpu.async_copy(hst_hbm.at[idxr.at[pl.ds(i * CH, CH)]],
                         g1.at[s], sem1.at[s])
        pltpu.async_copy(hst_hbm.at[idxc.at[pl.ds(i * CH, CH)]],
                         g2.at[s], sem2.at[s])

    def wait(s):
        pltpu.make_async_copy(hst_hbm.at[pl.ds(0, CH)], g1.at[s],
                              sem1.at[s]).wait()
        pltpu.make_async_copy(hst_hbm.at[pl.ds(0, CH)], g2.at[s],
                              sem2.at[s]).wait()

    start(0, 0)
    start(1, 1)

    def body(i, carry):
        s = lax.rem(i, 3)
        su = i & 1

        @pl.when(i + 2 < NITER)
        def _():
            start(i + 2, lax.rem(i + 2, 3))

        wait(s)

        @pl.when(i >= 2)
        def _():
            pltpu.make_async_copy(u_hbm.at[pl.ds(0, HCH)], ub.at[su],
                                  semu.at[su]).wait()

        def cbody(q, c2):
            for dp in range(4):
                p = 4 * q + dp
                e0 = 2 * p
                e1 = e0 + 1
                for k in range(4):
                    lo = 16 * k
                    hi = ENF + lo
                    ub[su, p, pl.ds(lo, 16)] = (g1[s, e0, pl.ds(lo, 16)]
                                                + g2[s, e0, pl.ds(hi, 16)])
                    ub[su, p, pl.ds(hi, 16)] = (g1[s, e1, pl.ds(lo, 16)]
                                                + g2[s, e1, pl.ds(hi, 16)])
            return c2

        lax.fori_loop(0, HCH // 4, cbody, 0)
        uoff = pl.multiple_of(ubase + i * HCH, HCH)
        pltpu.async_copy(ub.at[su], u_hbm.at[pl.ds(uoff, HCH)], semu.at[su])
        return carry

    lax.fori_loop(0, NITER, body, 0)
    pltpu.make_async_copy(u_hbm.at[pl.ds(0, HCH)], ub.at[0], semu.at[0]).wait()
    pltpu.make_async_copy(u_hbm.at[pl.ds(0, HCH)], ub.at[1], semu.at[1]).wait()


def _edge_mlp_body(u_ref, ea_ref, wa_ref, b1_ref, w2_ref, b2_ref, out_ref):
    u = u_ref[...]
    ea = ea_ref[...]

    def half(ux, eax):
        pre = (ux
               + jnp.dot(eax, wa_ref[...], preferred_element_type=jnp.float32)
               + b1_ref[...])
        t = jax.nn.silu(pre)
        ef = jax.nn.silu(
            jnp.dot(t, w2_ref[...], preferred_element_type=jnp.float32)
            + b2_ref[...])
        return jnp.concatenate([ef, jnp.zeros_like(ef)], axis=1)

    out_ref[...] = jnp.concatenate(
        [half(u[:, :ENF], ea[:, :DE]), half(u[:, ENF:], ea[:, DE:])], axis=0)


def _edge_mlp(u2, ea2, wa, b1, w2, b2):
    BEH = 2000
    grid = (E // 2 // BEH,)
    blk = lambda r, c: pl.BlockSpec((r, c), lambda i: (i, 0))
    fixed = lambda r, c: pl.BlockSpec((r, c), lambda i: (0, 0))
    return pl.pallas_call(
        _edge_mlp_body,
        grid=grid,
        in_specs=[blk(BEH, D), blk(BEH, 2 * DE),
                  fixed(DE, ENF), fixed(1, ENF), fixed(ENF, ENF),
                  fixed(1, ENF)],
        out_specs=blk(2 * BEH, D),
        out_shape=jax.ShapeDtypeStruct((E, D), jnp.float32),
    )(u2, ea2, wa, b1, w2, b2)


@functools.partial(
    pl.kernel,
    mesh=_mesh,
    out_type=jax.ShapeDtypeStruct((NC, N, D), jnp.float32),
    scratch_types=[
        pltpu.VMEM((NITER, CH), jnp.int32),
        pltpu.VMEM((2, CH, D), jnp.float32),
        pltpu.VMEM_SHARED((N, D), jnp.float32),
        pltpu.SemaphoreType.DMA((2,)),
    ],
)
def _scatter_k(ef_hbm, row_hbm, zero_hbm, out_hbm, idxd, buf, acc, sem):
    cid = lax.axis_index("c")
    sid = lax.axis_index("s")
    wid = sid * NC + cid
    start = pl.multiple_of(sid * RPT, 8)
    @pl.when(sid < NS - 1)
    def _():
        pltpu.sync_copy(zero_hbm.at[pl.ds(start, RPT)],
                        acc.at[pl.ds(start, RPT)])

    @pl.when(sid == NS - 1)
    def _():
        pltpu.sync_copy(zero_hbm.at[pl.ds(start, RPT_LAST)],
                        acc.at[pl.ds(start, RPT_LAST)])

    pltpu.sync_copy(row_hbm.at[wid], idxd)
    plsc.subcore_barrier()
    base = wid * EPW

    def load(i, s):
        off = pl.multiple_of(base + i * CH, CH)
        pltpu.async_copy(ef_hbm.at[pl.ds(off, CH)], buf.at[s], sem.at[s])

    def wait(s):
        pltpu.make_async_copy(ef_hbm.at[pl.ds(0, CH)], buf.at[s],
                              sem.at[s]).wait()

    load(0, 0)

    def body(i, carry):
        s = i & 1

        @pl.when(i + 1 < NITER)
        def _():
            load(i + 1, 1 - s)

        wait(s)
        pltpu.sync_copy(buf.at[s], acc.at[idxd.at[i]], add=True)
        return carry

    lax.fori_loop(0, NITER, body, 0)
    plsc.subcore_barrier()

    @pl.when(sid < NS - 1)
    def _():
        pltpu.sync_copy(acc.at[pl.ds(start, RPT)],
                        out_hbm.at[cid, pl.ds(start, RPT)])

    @pl.when(sid == NS - 1)
    def _():
        pltpu.sync_copy(acc.at[pl.ds(start, RPT_LAST)],
                        out_hbm.at[cid, pl.ds(start, RPT_LAST)])


def _node_mlp_body(h_ref, a0_ref, a1_ref, wh_ref, wa_ref, b1_ref, w2_ref,
                   b2_ref, out_ref):
    hcur = h_ref[...]
    agg = a0_ref[:, :ENF] + a1_ref[:, :ENF]
    z = jax.nn.silu(
        jnp.dot(hcur, wh_ref[...], preferred_element_type=jnp.float32)
        + jnp.dot(agg, wa_ref[...], preferred_element_type=jnp.float32)
        + b1_ref[...])
    out_ref[...] = (hcur
                    + jnp.dot(z, w2_ref[...],
                              preferred_element_type=jnp.float32)
                    + b2_ref[...])


def _node_mlp(h, a0, a1, wh, wa, b1, w2, b2):
    return pl.pallas_call(
        _node_mlp_body,
        out_shape=jax.ShapeDtypeStruct((N, D), jnp.float32),
    )(h, a0, a1, wh, wa, b1, w2, b2)


def kernel(h, edge_index, edge_attr, We1, be1, We2, be2, Wn1, bn1, Wn2, bn2):
    row = edge_index[0].astype(jnp.int32)
    col = edge_index[1].astype(jnp.int32)
    wst = jnp.concatenate([We1[:D], We1[D:2 * D]], axis=1)
    hst = _project(h, wst)
    u2 = _gather_k(hst, row, col)
    ea2 = edge_attr.reshape(E // 2, 2 * DE)
    ef = _edge_mlp(u2, ea2, We1[2 * D:], be1.reshape(1, ENF), We2,
                   be2.reshape(1, ENF))
    rowp = row.reshape(E // 4000, 2000, 2).transpose(0, 2, 1).reshape(
        NW, NITER, CH)
    parts = _scatter_k(ef, rowp, jnp.zeros((N, D), jnp.float32))
    return _node_mlp(h, parts[0], parts[1], Wn1[:D], Wn1[D:],
                     bn1.reshape(1, D), Wn2, bn2.reshape(1, D))

# --- scband reference (transcript-rebuilt; emitter-appended) ---
"""Pipeline reference for scband-gcl-52793738002842 (READ-ONLY COPY).

The authoritative reference and input builder live on the scoring server;
editing this copy changes nothing except your own understanding.
"""

import jax, jax.numpy as jnp
import numpy as np

N = 10000
E = 320000
D = 128
DE = 16
HID = 128
ENF = HID // 2  # 64


def _glorot(key, shape):
    fan_in, fan_out = shape[0], shape[1]
    lim = np.sqrt(6.0 / (fan_in + fan_out))
    return jax.random.uniform(key, shape, jnp.float32, -lim, lim)


def setup_inputs(seed: int = 0) -> dict:
    key = jax.random.key(seed)
    ks = jax.random.split(key, 16)
    h = jax.random.normal(ks[0], (N, D), dtype=jnp.float32)
    edge_index = jax.random.randint(ks[1], (2, E), 0, N, dtype=jnp.int64)
    edge_attr = jax.random.normal(ks[2], (E, DE), dtype=jnp.float32)
    # edge_mlp: Linear(2*D + DE -> ENF), SiLU, Linear(ENF -> ENF), SiLU
    We1 = _glorot(ks[3], (2 * D + DE, ENF)); be1 = jnp.zeros((ENF,), jnp.float32)
    We2 = _glorot(ks[4], (ENF, ENF)); be2 = jnp.zeros((ENF,), jnp.float32)
    # node_mlp: Linear(ENF + D -> HID), SiLU, Linear(HID -> D)
    Wn1 = _glorot(ks[5], (ENF + D, HID)); bn1 = jnp.zeros((HID,), jnp.float32)
    Wn2 = _glorot(ks[6], (HID, D)); bn2 = jnp.zeros((D,), jnp.float32)
    return {"h": h, "edge_index": edge_index, "edge_attr": edge_attr,
            "We1": We1, "be1": be1, "We2": We2, "be2": be2,
            "Wn1": Wn1, "bn1": bn1, "Wn2": Wn2, "bn2": bn2}


def reference(h, edge_index, edge_attr, We1, be1, We2, be2, Wn1, bn1, Wn2, bn2):
    row = edge_index[0]
    col = edge_index[1]
    # edge_model: gather source/target node features, concat with edge_attr
    source = jnp.take(h, row, axis=0)
    target = jnp.take(h, col, axis=0)
    e = jnp.concatenate([source, target, edge_attr], axis=1)
    e = jax.nn.silu(e @ We1 + be1)
    edge_feat = jax.nn.silu(e @ We2 + be2)
    # node_model: unsorted_segment_sum over destination `row`, C = 1.0
    agg = jax.ops.segment_sum(edge_feat, row, num_segments=h.shape[0]) * 1.0
    agg = jnp.concatenate([h, agg], axis=1)
    out = jax.nn.silu(agg @ Wn1 + bn1) @ Wn2 + bn2
    # residual
    h_out = h + out
    return h_out

if __name__ == "__main__":
    import jax
    _d = setup_inputs()
    print(jax.jit(kernel)(*tuple(_d.values())))

</pallas_src>

<mosaic_0001>
#map = affine_map<(d0, d1) -> (0, 0)>
#map1 = affine_map<(d0, d1) -> (0, 0, 0)>
module attributes {stable_mosaic.version = 14 : i64} {
  func.func @_scatter_k(%arg0: i32, %arg1: i32, %arg2: memref<320000x128xf32, #tpu.memory_space<hbm>>, %arg3: memref<32x125x80xi32, #tpu.memory_space<hbm>>, %arg4: memref<10000x128xf32, #tpu.memory_space<hbm>>, %arg5: memref<2x10000x128xf32, #tpu.memory_space<hbm>>, %arg6: memref<125x80xi32, #tpu.memory_space<vmem>>, %arg7: memref<2x80x128xf32, #tpu.memory_space<vmem>>, %arg8: memref<10000x128xf32, #tpu.memory_space<vmem_shared>>, %arg9: memref<2x!tpu.dma_semaphore, #tpu.memory_space<semaphore_mem>>) attributes {dimension_semantics = [#tpu.dimension_semantics<core_parallel>, #tpu.dimension_semantics<subcore_parallel>], iteration_bounds = array<i64: 2, 16>, scalar_prefetch = 0 : i64, scratch_operands = 4 : i64, tpu.core_type = #tpu.core_type<sc_vector_subcore>, window_params = [{transform_indices = #map}, {transform_indices = #map1}, {transform_indices = #map}, {transform_indices = #map1}]} {
    %mul3A = arith.constant 2 : i32
    %mul3A_0 = arith.muli %arg1, %mul3A : i32
    %add3A = arith.addi %mul3A_0, %arg0 : i32
    %mul3A_1 = arith.constant 624 : i32
    %mul3A_2 = arith.muli %arg1, %mul3A_1 : i32
    %multiple_of3A = tpu.assume_multiple %mul3A_2, 8 : i32
    %lt3A = arith.constant 15 : i32
    %lt3A_3 = arith.cmpi slt, %arg1, %lt3A : i32
    %convert_element_type3A = arith.extui %lt3A_3 : i1 to i32
    %cond3A = arith.constant 0 : i32
    %cond3A_4 = arith.cmpi ne, %convert_element_type3A, %cond3A : i32
    scf.if %cond3A_4 {
      "tpu.region"() ({
        %run_scoped3A = tpu.sem_alloc : memref<!tpu.dma_semaphore, #tpu.memory_space<semaphore_mem>>
        %dma_start3A_45 = arith.constant 0 : i32
        %dma_start3A_46 = tpu.memref_slice %arg8[%multiple_of3A, %dma_start3A_45] : memref<10000x128xf32, #tpu.memory_space<vmem_shared>> -> memref<624x128xf32, #tpu.memory_space<vmem_shared>>
        %dma_start3A_47 = arith.constant 0 : i32
        %dma_start3A_48 = tpu.memref_slice %arg4[%multiple_of3A, %dma_start3A_47] : memref<10000x128xf32, #tpu.memory_space<hbm>> -> memref<624x128xf32, #tpu.memory_space<hbm>>
        tpu.enqueue_dma source(%dma_start3A_48 : memref<624x128xf32, #tpu.memory_space<hbm>>) target(%dma_start3A_46 : memref<624x128xf32, #tpu.memory_space<vmem_shared>>) target_semaphore(%run_scoped3A : memref<!tpu.dma_semaphore, #tpu.memory_space<semaphore_mem>>)
        %dma_wait3A = arith.constant 0 : i32
        %dma_wait3A_49 = tpu.memref_slice %arg8[%multiple_of3A, %dma_wait3A] : memref<10000x128xf32, #tpu.memory_space<vmem_shared>> -> memref<624x128xf32, #tpu.memory_space<vmem_shared>>
        %dma_wait3A_50 = arith.constant 0 : i32
        %dma_wait3A_51 = tpu.memref_slice %arg4[%multiple_of3A, %dma_wait3A_50] : memref<10000x128xf32, #tpu.memory_space<hbm>> -> memref<624x128xf32, #tpu.memory_space<hbm>>
        tpu.wait_dma2 semaphore(%run_scoped3A : memref<!tpu.dma_semaphore, #tpu.memory_space<semaphore_mem>>) src(%dma_wait3A_51 : memref<624x128xf32, #tpu.memory_space<hbm>>) dst(%dma_wait3A_49 : memref<624x128xf32, #tpu.memory_space<vmem_shared>>)
        tpu.yield
      }) : () -> ()
    } else {
    }
    %eq3A = arith.constant 15 : i32
    %eq3A_5 = arith.cmpi eq, %arg1, %eq3A : i32
    %convert_element_type3A_6 = arith.extui %eq3A_5 : i1 to i32
    %cond3A_7 = arith.constant 0 : i32
    %cond3A_8 = arith.cmpi ne, %convert_element_type3A_6, %cond3A_7 : i32
    scf.if %cond3A_8 {
      "tpu.region"() ({
        %run_scoped3A = tpu.sem_alloc : memref<!tpu.dma_semaphore, #tpu.memory_space<semaphore_mem>>
        %dma_start3A_45 = arith.constant 0 : i32
        %dma_start3A_46 = tpu.memref_slice %arg8[%multiple_of3A, %dma_start3A_45] : memref<10000x128xf32, #tpu.memory_space<vmem_shared>> -> memref<640x128xf32, #tpu.memory_space<vmem_shared>>
        %dma_start3A_47 = arith.constant 0 : i32
        %dma_start3A_48 = tpu.memref_slice %arg4[%multiple_of3A, %dma_start3A_47] : memref<10000x128xf32, #tpu.memory_space<hbm>> -> memref<640x128xf32, #tpu.memory_space<hbm>>
        tpu.enqueue_dma source(%dma_start3A_48 : memref<640x128xf32, #tpu.memory_space<hbm>>) target(%dma_start3A_46 : memref<640x128xf32, #tpu.memory_space<vmem_shared>>) target_semaphore(%run_scoped3A : memref<!tpu.dma_semaphore, #tpu.memory_space<semaphore_mem>>)
        %dma_wait3A = arith.constant 0 : i32
        %dma_wait3A_49 = tpu.memref_slice %arg8[%multiple_of3A, %dma_wait3A] : memref<10000x128xf32, #tpu.memory_space<vmem_shared>> -> memref<640x128xf32, #tpu.memory_space<vmem_shared>>
        %dma_wait3A_50 = arith.constant 0 : i32
        %dma_wait3A_51 = tpu.memref_slice %arg4[%multiple_of3A, %dma_wait3A_50] : memref<10000x128xf32, #tpu.memory_space<hbm>> -> memref<640x128xf32, #tpu.memory_space<hbm>>
        tpu.wait_dma2 semaphore(%run_scoped3A : memref<!tpu.dma_semaphore, #tpu.memory_space<semaphore_mem>>) src(%dma_wait3A_51 : memref<640x128xf32, #tpu.memory_space<hbm>>) dst(%dma_wait3A_49 : memref<640x128xf32, #tpu.memory_space<vmem_shared>>)
        tpu.yield
      }) : () -> ()
    } else {
    }
    "tpu.region"() ({
      %run_scoped3A = tpu.sem_alloc : memref<!tpu.dma_semaphore, #tpu.memory_space<semaphore_mem>>
      %dma_start3A_45 = arith.constant 0 : i32
      %dma_start3A_46 = arith.constant 0 : i32
      %dma_start3A_47 = tpu.memref_slice %arg3[%add3A, %dma_start3A_45, %dma_start3A_46] : memref<32x125x80xi32, #tpu.memory_space<hbm>> -> memref<1x125x80xi32, #tpu.memory_space<hbm>>
      %dma_start3A_48 = tpu.memref_squeeze %dma_start3A_47 : memref<1x125x80xi32, #tpu.memory_space<hbm>> -> memref<125x80xi32, #tpu.memory_space<hbm>>
      %dma_start3A_49 = arith.constant 0 : i32
      %dma_start3A_50 = arith.constant 0 : i32
      %dma_start3A_51 = tpu.memref_slice %arg3[%add3A, %dma_start3A_49, %dma_start3A_50] : memref<32x125x80xi32, #tpu.memory_space<hbm>> -> memref<1x125x80xi32, #tpu.memory_space<hbm>>
      %dma_start3A_52 = tpu.memref_squeeze %dma_start3A_51 : memref<1x125x80xi32, #tpu.memory_space<hbm>> -> memref<125x80xi32, #tpu.memory_space<hbm>>
      tpu.enqueue_dma source(%dma_start3A_52 : memref<125x80xi32, #tpu.memory_space<hbm>>) target(%arg6 : memref<125x80xi32, #tpu.memory_space<vmem>>) target_semaphore(%run_scoped3A : memref<!tpu.dma_semaphore, #tpu.memory_space<semaphore_mem>>)
      %dma_wait3A = arith.constant 0 : i32
      %dma_wait3A_53 = arith.constant 0 : i32
      %dma_wait3A_54 = tpu.memref_slice %arg3[%add3A, %dma_wait3A, %dma_wait3A_53] : memref<32x125x80xi32, #tpu.memory_space<hbm>> -> memref<1x125x80xi32, #tpu.memory_space<hbm>>
      %dma_wait3A_55 = tpu.memref_squeeze %dma_wait3A_54 : memref<1x125x80xi32, #tpu.memory_space<hbm>> -> memref<125x80xi32, #tpu.memory_space<hbm>>
      %dma_wait3A_56 = arith.constant 0 : i32
      %dma_wait3A_57 = arith.constant 0 : i32
      %dma_wait3A_58 = tpu.memref_slice %arg3[%add3A, %dma_wait3A_56, %dma_wait3A_57] : memref<32x125x80xi32, #tpu.memory_space<hbm>> -> memref<1x125x80xi32, #tpu.memory_space<hbm>>
      %dma_wait3A_59 = tpu.memref_squeeze %dma_wait3A_58 : memref<1x125x80xi32, #tpu.memory_space<hbm>> -> memref<125x80xi32, #tpu.memory_space<hbm>>
      tpu.wait_dma2 semaphore(%run_scoped3A : memref<!tpu.dma_semaphore, #tpu.memory_space<semaphore_mem>>) src(%dma_wait3A_59 : memref<125x80xi32, #tpu.memory_space<hbm>>) dst(%arg6 : memref<125x80xi32, #tpu.memory_space<vmem>>)
      tpu.yield
    }) : () -> ()
    %barrier3A = arith.constant 0 : index
    tpu.barrier barrier_id(%barrier3A)
    %mul3A_9 = arith.constant 10000 : i32
    %mul3A_10 = arith.muli %add3A, %mul3A_9 : i32
    %add3A_11 = arith.constant 0 : i32
    %add3A_12 = arith.addi %mul3A_10, %add3A_11 : i32
    %multiple_of3A_13 = tpu.assume_multiple %add3A_12, 80 : i32
    %dma_start3A = arith.constant 0 : i32
    %dma_start3A_14 = arith.constant 0 : i32
    %dma_start3A_15 = arith.constant 0 : i32
    %dma_start3A_16 = arith.constant 0 : i32
    %dma_start3A_17 = tpu.memref_slice %arg7[%dma_start3A, %dma_start3A_15, %dma_start3A_16] : memref<2x80x128xf32, #tpu.memory_space<vmem>> -> memref<1x80x128xf32, #tpu.memory_space<vmem>>
    %dma_start3A_18 = tpu.memref_squeeze %dma_start3A_17 : memref<1x80x128xf32, #tpu.memory_space<vmem>> -> memref<80x128xf32, #tpu.memory_space<vmem>>
    %dma_start3A_19 = arith.constant 0 : i32
    %dma_start3A_20 = tpu.memref_slice %arg2[%multiple_of3A_13, %dma_start3A_19] : memref<320000x128xf32, #tpu.memory_space<hbm>> -> memref<80x128xf32, #tpu.memory_space<hbm>>
    %dma_start3A_21 = tpu.memref_slice %arg9[%dma_start3A_14] : memref<2x!tpu.dma_semaphore, #tpu.memory_space<semaphore_mem>> -> memref<1x!tpu.dma_semaphore, #tpu.memory_space<semaphore_mem>>
    %dma_start3A_22 = tpu.memref_squeeze %dma_start3A_21 : memref<1x!tpu.dma_semaphore, #tpu.memory_space<semaphore_mem>> -> memref<!tpu.dma_semaphore, #tpu.memory_space<semaphore_mem>>
    %dma_start3A_23 = arith.constant 0 : i32
    %dma_start3A_24 = arith.constant 0 : i32
    %dma_start3A_25 = tpu.memref_slice %arg7[%dma_start3A, %dma_start3A_23, %dma_start3A_24] : memref<2x80x128xf32, #tpu.memory_space<vmem>> -> memref<1x80x128xf32, #tpu.memory_space<vmem>>
    %dma_start3A_26 = tpu.memref_squeeze %dma_start3A_25 : memref<1x80x128xf32, #tpu.memory_space<vmem>> -> memref<80x128xf32, #tpu.memory_space<vmem>>
    %dma_start3A_27 = arith.constant 0 : i32
    %dma_start3A_28 = tpu.memref_slice %arg2[%multiple_of3A_13, %dma_start3A_27] : memref<320000x128xf32, #tpu.memory_space<hbm>> -> memref<80x128xf32, #tpu.memory_space<hbm>>
    tpu.enqueue_dma source(%dma_start3A_28 : memref<80x128xf32, #tpu.memory_space<hbm>>) target(%dma_start3A_26 : memref<80x128xf32, #tpu.memory_space<vmem>>) target_semaphore(%dma_start3A_22 : memref<!tpu.dma_semaphore, #tpu.memory_space<semaphore_mem>>)
    %scan3A = arith.constant 0 : i32
    %scan3A_29 = arith.constant 0 : i32
    %scan3A_30 = arith.constant 125 : i32
    %scan3A_31 = arith.addi %scan3A_29, %scan3A_30 : i32
    %scan3A_32 = arith.constant 1 : i32
    scf.for %scan3A_45 = %scan3A_29 to %scan3A_31 step %scan3A_32  : i32 {
      %and3A = arith.constant 1 : i32
      %and3A_46 = arith.andi %scan3A_45, %and3A : i32
      %add3A_47 = arith.constant 1 : i32
      %add3A_48 = arith.addi %scan3A_45, %add3A_47 : i32
      %lt3A_49 = arith.constant 125 : i32
      %lt3A_50 = arith.cmpi slt, %add3A_48, %lt3A_49 : i32
      %convert_element_type3A_51 = arith.extui %lt3A_50 : i1 to i32
      %cond3A_52 = arith.constant 0 : i32
      %cond3A_53 = arith.cmpi ne, %convert_element_type3A_51, %cond3A_52 : i32
      scf.if %cond3A_53 {
        %add3A_69 = arith.constant 1 : i32
        %add3A_70 = arith.addi %scan3A_45, %add3A_69 : i32
        %sub3A = arith.constant 1 : i32
        %sub3A_71 = arith.subi %sub3A, %and3A_46 : i32
        %mul3A_72 = arith.constant 80 : i32
        %mul3A_73 = arith.muli %add3A_70, %mul3A_72 : i32
        %add3A_74 = arith.addi %mul3A_10, %mul3A_73 : i32
        %multiple_of3A_75 = tpu.assume_multiple %add3A_74, 80 : i32
        %dma_start3A_76 = arith.constant 0 : i32
        %dma_start3A_77 = arith.constant 0 : i32
        %dma_start3A_78 = tpu.memref_slice %arg7[%sub3A_71, %dma_start3A_76, %dma_start3A_77] : memref<2x80x128xf32, #tpu.memory_space<vmem>> -> memref<1x80x128xf32, #tpu.memory_space<vmem>>
        %dma_start3A_79 = tpu.memref_squeeze %dma_start3A_78 : memref<1x80x128xf32, #tpu.memory_space<vmem>> -> memref<80x128xf32, #tpu.memory_space<vmem>>
        %dma_start3A_80 = arith.constant 0 : i32
        %dma_start3A_81 = tpu.memref_slice %arg2[%multiple_of3A_75, %dma_start3A_80] : memref<320000x128xf32, #tpu.memory_space<hbm>> -> memref<80x128xf32, #tpu.memory_space<hbm>>
        %dma_start3A_82 = tpu.memref_slice %arg9[%sub3A_71] : memref<2x!tpu.dma_semaphore, #tpu.memory_space<semaphore_mem>> -> memref<1x!tpu.dma_semaphore, #tpu.memory_space<semaphore_mem>>
        %dma_start3A_83 = tpu.memref_squeeze %dma_start3A_82 : memref<1x!tpu.dma_semaphore, #tpu.memory_space<semaphore_mem>> -> memref<!tpu.dma_semaphore, #tpu.memory_space<semaphore_mem>>
        %dma_start3A_84 = arith.constant 0 : i32
        %dma_start3A_85 = arith.constant 0 : i32
        %dma_start3A_86 = tpu.memref_slice %arg7[%sub3A_71, %dma_start3A_84, %dma_start3A_85] : memref<2x80x128xf32, #tpu.memory_space<vmem>> -> memref<1x80x128xf32, #tpu.memory_space<vmem>>
        %dma_start3A_87 = tpu.memref_squeeze %dma_start3A_86 : memref<1x80x128xf32, #tpu.memory_space<vmem>> -> memref<80x128xf32, #tpu.memory_space<vmem>>
        %dma_start3A_88 = arith.constant 0 : i32
        %dma_start3A_89 = tpu.memref_slice %arg2[%multiple_of3A_75, %dma_start3A_88] : memref<320000x128xf32, #tpu.memory_space<hbm>> -> memref<80x128xf32, #tpu.memory_space<hbm>>
        tpu.enqueue_dma source(%dma_start3A_89 : memref<80x128xf32, #tpu.memory_space<hbm>>) target(%dma_start3A_87 : memref<80x128xf32, #tpu.memory_space<vmem>>) target_semaphore(%dma_start3A_83 : memref<!tpu.dma_semaphore, #tpu.memory_space<semaphore_mem>>)
      } else {
      }
      %dma_wait3A = arith.constant 0 : i32
      %dma_wait3A_54 = arith.constant 0 : i32
      %dma_wait3A_55 = tpu.memref_slice %arg7[%and3A_46, %dma_wait3A, %dma_wait3A_54] : memref<2x80x128xf32, #tpu.memory_space<vmem>> -> memref<1x80x128xf32, #tpu.memory_space<vmem>>
      %dma_wait3A_56 = tpu.memref_squeeze %dma_wait3A_55 : memref<1x80x128xf32, #tpu.memory_space<vmem>> -> memref<80x128xf32, #tpu.memory_space<vmem>>
      %dma_wait3A_57 = arith.constant 0 : i32
      %dma_wait3A_58 = arith.constant 0 : i32
      %dma_wait3A_59 = tpu.memref_slice %arg2[%dma_wait3A_57, %dma_wait3A_58] : memref<320000x128xf32, #tpu.memory_space<hbm>> -> memref<80x128xf32, #tpu.memory_space<hbm>>
      %dma_wait3A_60 = tpu.memref_slice %arg9[%and3A_46] : memref<2x!tpu.dma_semaphore, #tpu.memory_space<semaphore_mem>> -> memref<1x!tpu.dma_semaphore, #tpu.memory_space<semaphore_mem>>
      %dma_wait3A_61 = tpu.memref_squeeze %dma_wait3A_60 : memref<1x!tpu.dma_semaphore, #tpu.memory_space<semaphore_mem>> -> memref<!tpu.dma_semaphore, #tpu.memory_space<semaphore_mem>>
      %dma_wait3A_62 = arith.constant 0 : i32
      %dma_wait3A_63 = arith.constant 0 : i32
      %dma_wait3A_64 = tpu.memref_slice %arg7[%and3A_46, %dma_wait3A_62, %dma_wait3A_63] : memref<2x80x128xf32, #tpu.memory_space<vmem>> -> memref<1x80x128xf32, #tpu.memory_space<vmem>>
      %dma_wait3A_65 = tpu.memref_squeeze %dma_wait3A_64 : memref<1x80x128xf32, #tpu.memory_space<vmem>> -> memref<80x128xf32, #tpu.memory_space<vmem>>
      %dma_wait3A_66 = arith.constant 0 : i32
      %dma_wait3A_67 = arith.constant 0 : i32
      %dma_wait3A_68 = tpu.memref_slice %arg2[%dma_wait3A_66, %dma_wait3A_67] : memref<320000x128xf32, #tpu.memory_space<hbm>> -> memref<80x128xf32, #tpu.memory_space<hbm>>
      tpu.wait_dma2 semaphore(%dma_wait3A_61 : memref<!tpu.dma_semaphore, #tpu.memory_space<semaphore_mem>>) src(%dma_wait3A_68 : memref<80x128xf32, #tpu.memory_space<hbm>>) dst(%dma_wait3A_65 : memref<80x128xf32, #tpu.memory_space<vmem>>)
      "tpu.region"() ({
        %run_scoped3A = tpu.sem_alloc : memref<!tpu.dma_semaphore, #tpu.memory_space<semaphore_mem>>
        %dma_start3A_69 = arith.constant 0 : i32
        %dma_start3A_70 = arith.constant 0 : i32
        %dma_start3A_71 = tpu.memref_slice %arg7[%and3A_46, %dma_start3A_69, %dma_start3A_70] : memref<2x80x128xf32, #tpu.memory_space<vmem>> -> memref<1x80x128xf32, #tpu.memory_space<vmem>>
        %dma_start3A_72 = tpu.memref_squeeze %dma_start3A_71 : memref<1x80x128xf32, #tpu.memory_space<vmem>> -> memref<80x128xf32, #tpu.memory_space<vmem>>
        %dma_start3A_73 = arith.constant 0 : i32
        %dma_start3A_74 = tpu.memref_slice %arg6[%scan3A_45, %dma_start3A_73] : memref<125x80xi32, #tpu.memory_space<vmem>> -> memref<1x80xi32, #tpu.memory_space<vmem>>
        %dma_start3A_75 = tpu.memref_squeeze %dma_start3A_74 : memref<1x80xi32, #tpu.memory_space<vmem>> -> memref<80xi32, #tpu.memory_space<vmem>>
        %dma_start3A_76 = arith.constant 0 : i32
        %dma_start3A_77 = arith.constant 0 : i32
        %dma_start3A_78 = tpu.memref_slice %arg8[%dma_start3A_76, %dma_start3A_77] : memref<10000x128xf32, #tpu.memory_space<vmem_shared>> -> memref<10000x128xf32, #tpu.memory_space<vmem_shared>>
        tpu.enqueue_indirect_dma source(%dma_start3A_72 : memref<80x128xf32, #tpu.memory_space<vmem>>) target(%dma_start3A_78 : memref<10000x128xf32, #tpu.memory_space<vmem_shared>>) offsets(%dma_start3A_75 : memref<80xi32, #tpu.memory_space<vmem>>) semaphore(%run_scoped3A : memref<!tpu.dma_semaphore, #tpu.memory_space<semaphore_mem>>) {add = true}
        %dma_wait3A_79 = arith.constant 0 : i32
        %dma_wait3A_80 = arith.constant 0 : i32
        %dma_wait3A_81 = tpu.memref_slice %arg7[%and3A_46, %dma_wait3A_79, %dma_wait3A_80] : memref<2x80x128xf32, #tpu.memory_space<vmem>> -> memref<1x80x128xf32, #tpu.memory_space<vmem>>
        %dma_wait3A_82 = tpu.memref_squeeze %dma_wait3A_81 : memref<1x80x128xf32, #tpu.memory_space<vmem>> -> memref<80x128xf32, #tpu.memory_space<vmem>>
        %dma_wait3A_83 = arith.constant 0 : i32
        %dma_wait3A_84 = tpu.memref_slice %arg6[%scan3A_45, %dma_wait3A_83] : memref<125x80xi32, #tpu.memory_space<vmem>> -> memref<1x80xi32, #tpu.memory_space<vmem>>
        %dma_wait3A_85 = tpu.memref_squeeze %dma_wait3A_84 : memref<1x80xi32, #tpu.memory_space<vmem>> -> memref<80xi32, #tpu.memory_space<vmem>>
        %dma_wait3A_86 = arith.constant 0 : i32
        %dma_wait3A_87 = arith.constant 0 : i32
        %dma_wait3A_88 = tpu.memref_slice %arg8[%dma_wait3A_86, %dma_wait3A_87] : memref<10000x128xf32, #tpu.memory_space<vmem_shared>> -> memref<10000x128xf32, #tpu.memory_space<vmem_shared>>
        tpu.wait_indirect_dma semaphore(%run_scoped3A : memref<!tpu.dma_semaphore, #tpu.memory_space<semaphore_mem>>) src(%dma_wait3A_82 : memref<80x128xf32, #tpu.memory_space<vmem>>) dst(%dma_wait3A_88 : memref<10000x128xf32, #tpu.memory_space<vmem_shared>>)
        tpu.yield
      }) : () -> ()
    }
    %scan3A_33 = arith.constant 125 : i32
    %barrier3A_34 = arith.constant 0 : index
    tpu.barrier barrier_id(%barrier3A_34)
    %lt3A_35 = arith.constant 15 : i32
    %lt3A_36 = arith.cmpi slt, %arg1, %lt3A_35 : i32
    %convert_element_type3A_37 = arith.extui %lt3A_36 : i1 to i32
    %cond3A_38 = arith.constant 0 : i32
    %cond3A_39 = arith.cmpi ne, %convert_element_type3A_37, %cond3A_38 : i32
    scf.if %cond3A_39 {
      "tpu.region"() ({
        %run_scoped3A = tpu.sem_alloc : memref<!tpu.dma_semaphore, #tpu.memory_space<semaphore_mem>>
        %dma_start3A_45 = arith.constant 0 : i32
        %dma_start3A_46 = tpu.memref_slice %arg5[%arg0, %multiple_of3A, %dma_start3A_45] : memref<2x10000x128xf32, #tpu.memory_space<hbm>> -> memref<1x624x128xf32, #tpu.memory_space<hbm>>
        %dma_start3A_47 = tpu.memref_squeeze %dma_start3A_46 : memref<1x624x128xf32, #tpu.memory_space<hbm>> -> memref<624x128xf32, #tpu.memory_space<hbm>>
        %dma_start3A_48 = arith.constant 0 : i32
        %dma_start3A_49 = tpu.memref_slice %arg8[%multiple_of3A, %dma_start3A_48] : memref<10000x128xf32, #tpu.memory_space<vmem_shared>> -> memref<624x128xf32, #tpu.memory_space<vmem_shared>>
        tpu.enqueue_dma source(%dma_start3A_49 : memref<624x128xf32, #tpu.memory_space<vmem_shared>>) target(%dma_start3A_47 : memref<624x128xf32, #tpu.memory_space<hbm>>) target_semaphore(%run_scoped3A : memref<!tpu.dma_semaphore, #tpu.memory_space<semaphore_mem>>)
        %dma_wait3A = arith.constant 0 : i32
        %dma_wait3A_50 = tpu.memref_slice %arg5[%arg0, %multiple_of3A, %dma_wait3A] : memref<2x10000x128xf32, #tpu.memory_space<hbm>> -> memref<1x624x128xf32, #tpu.memory_space<hbm>>
        %dma_wait3A_51 = tpu.memref_squeeze %dma_wait3A_50 : memref<1x624x128xf32, #tpu.memory_space<hbm>> -> memref<624x128xf32, #tpu.memory_space<hbm>>
        %dma_wait3A_52 = arith.constant 0 : i32
        %dma_wait3A_53 = tpu.memref_slice %arg8[%multiple_of3A, %dma_wait3A_52] : memref<10000x128xf32, #tpu.memory_space<vmem_shared>> -> memref<624x128xf32, #tpu.memory_space<vmem_shared>>
        tpu.wait_dma2 semaphore(%run_scoped3A : memref<!tpu.dma_semaphore, #tpu.memory_space<semaphore_mem>>) src(%dma_wait3A_53 : memref<624x128xf32, #tpu.memory_space<vmem_shared>>) dst(%dma_wait3A_51 : memref<624x128xf32, #tpu.memory_space<hbm>>)
        tpu.yield
      }) : () -> ()
    } else {
    }
    %eq3A_40 = arith.constant 15 : i32
    %eq3A_41 = arith.cmpi eq, %arg1, %eq3A_40 : i32
    %convert_element_type3A_42 = arith.extui %eq3A_41 : i1 to i32
    %cond3A_43 = arith.constant 0 : i32
    %cond3A_44 = arith.cmpi ne, %convert_element_type3A_42, %cond3A_43 : i32
    scf.if %cond3A_44 {
      "tpu.region"() ({
        %run_scoped3A = tpu.sem_alloc : memref<!tpu.dma_semaphore, #tpu.memory_space<semaphore_mem>>
        %dma_start3A_45 = arith.constant 0 : i32
        %dma_start3A_46 = tpu.memref_slice %arg5[%arg0, %multiple_of3A, %dma_start3A_45] : memref<2x10000x128xf32, #tpu.memory_space<hbm>> -> memref<1x640x128xf32, #tpu.memory_space<hbm>>
        %dma_start3A_47 = tpu.memref_squeeze %dma_start3A_46 : memref<1x640x128xf32, #tpu.memory_space<hbm>> -> memref<640x128xf32, #tpu.memory_space<hbm>>
        %dma_start3A_48 = arith.constant 0 : i32
        %dma_start3A_49 = tpu.memref_slice %arg8[%multiple_of3A, %dma_start3A_48] : memref<10000x128xf32, #tpu.memory_space<vmem_shared>> -> memref<640x128xf32, #tpu.memory_space<vmem_shared>>
        tpu.enqueue_dma source(%dma_start3A_49 : memref<640x128xf32, #tpu.memory_space<vmem_shared>>) target(%dma_start3A_47 : memref<640x128xf32, #tpu.memory_space<hbm>>) target_semaphore(%run_scoped3A : memref<!tpu.dma_semaphore, #tpu.memory_space<semaphore_mem>>)
        %dma_wait3A = arith.constant 0 : i32
        %dma_wait3A_50 = tpu.memref_slice %arg5[%arg0, %multiple_of3A, %dma_wait3A] : memref<2x10000x128xf32, #tpu.memory_space<hbm>> -> memref<1x640x128xf32, #tpu.memory_space<hbm>>
        %dma_wait3A_51 = tpu.memref_squeeze %dma_wait3A_50 : memref<1x640x128xf32, #tpu.memory_space<hbm>> -> memref<640x128xf32, #tpu.memory_space<hbm>>
        %dma_wait3A_52 = arith.constant 0 : i32
        %dma_wait3A_53 = tpu.memref_slice %arg8[%multiple_of3A, %dma_wait3A_52] : memref<10000x128xf32, #tpu.memory_space<vmem_shared>> -> memref<640x128xf32, #tpu.memory_space<vmem_shared>>
        tpu.wait_dma2 semaphore(%run_scoped3A : memref<!tpu.dma_semaphore, #tpu.memory_space<semaphore_mem>>) src(%dma_wait3A_53 : memref<640x128xf32, #tpu.memory_space<vmem_shared>>) dst(%dma_wait3A_51 : memref<640x128xf32, #tpu.memory_space<hbm>>)
        tpu.yield
      }) : () -> ()
    } else {
    }
    return
  }
}

#map = affine_map<(d0, d1) -> (0, 0)>
#map1 = affine_map<(d0, d1) -> (0)>
module attributes {stable_mosaic.version = 14 : i64} {
  func.func @_gather_k(%arg0: i32, %arg1: i32, %arg2: memref<10000x128xf32, #tpu.memory_space<hbm>>, %arg3: memref<320000xi32, #tpu.memory_space<hbm>>, %arg4: memref<320000xi32, #tpu.memory_space<hbm>>, %arg5: memref<160000x128xf32, #tpu.memory_space<hbm>>, %arg6: memref<10000xi32, #tpu.memory_space<vmem>>, %arg7: memref<10000xi32, #tpu.memory_space<vmem>>, %arg8: memref<3x80x128xf32, #tpu.memory_space<vmem>>, %arg9: memref<3x80x128xf32, #tpu.memory_space<vmem>>, %arg10: memref<2x40x128xf32, #tpu.memory_space<vmem>>, %arg11: memref<3x!tpu.dma_semaphore, #tpu.memory_space<semaphore_mem>>, %arg12: memref<3x!tpu.dma_semaphore, #tpu.memory_space<semaphore_mem>>, %arg13: memref<2x!tpu.dma_semaphore, #tpu.memory_space<semaphore_mem>>) attributes {dimension_semantics = [#tpu.dimension_semantics<core_parallel>, #tpu.dimension_semantics<subcore_parallel>], iteration_bounds = array<i64: 2, 16>, scalar_prefetch = 0 : i64, scratch_operands = 8 : i64, tpu.core_type = #tpu.core_type<sc_vector_subcore>, window_params = [{transform_indices = #map}, {transform_indices = #map1}, {transform_indices = #map1}, {transform_indices = #map}]} {
    %mul3A = arith.constant 2 : i32
    %mul3A_0 = arith.muli %arg1, %mul3A : i32
    %add3A = arith.addi %mul3A_0, %arg0 : i32
    %mul3A_1 = arith.constant 10000 : i32
    %mul3A_2 = arith.muli %add3A, %mul3A_1 : i32
    %multiple_of3A = tpu.assume_multiple %mul3A_2, 8 : i32
    "tpu.region"() ({
      %run_scoped3A = tpu.sem_alloc : memref<!tpu.dma_semaphore, #tpu.memory_space<semaphore_mem>>
      %dma_start3A_96 = tpu.memref_slice %arg3[%multiple_of3A] : memref<320000xi32, #tpu.memory_space<hbm>> -> memref<10000xi32, #tpu.memory_space<hbm>>
      %dma_start3A_97 = tpu.memref_slice %arg3[%multiple_of3A] : memref<320000xi32, #tpu.memory_space<hbm>> -> memref<10000xi32, #tpu.memory_space<hbm>>
      tpu.enqueue_dma source(%dma_start3A_97 : memref<10000xi32, #tpu.memory_space<hbm>>) target(%arg6 : memref<10000xi32, #tpu.memory_space<vmem>>) target_semaphore(%run_scoped3A : memref<!tpu.dma_semaphore, #tpu.memory_space<semaphore_mem>>)
      %dma_wait3A_98 = tpu.memref_slice %arg3[%multiple_of3A] : memref<320000xi32, #tpu.memory_space<hbm>> -> memref<10000xi32, #tpu.memory_space<hbm>>
      %dma_wait3A_99 = tpu.memref_slice %arg3[%multiple_of3A] : memref<320000xi32, #tpu.memory_space<hbm>> -> memref<10000xi32, #tpu.memory_space<hbm>>
      tpu.wait_dma2 semaphore(%run_scoped3A : memref<!tpu.dma_semaphore, #tpu.memory_space<semaphore_mem>>) src(%dma_wait3A_99 : memref<10000xi32, #tpu.memory_space<hbm>>) dst(%arg6 : memref<10000xi32, #tpu.memory_space<vmem>>)
      tpu.yield
    }) : () -> ()
    "tpu.region"() ({
      %run_scoped3A = tpu.sem_alloc : memref<!tpu.dma_semaphore, #tpu.memory_space<semaphore_mem>>
      %dma_start3A_96 = tpu.memref_slice %arg4[%multiple_of3A] : memref<320000xi32, #tpu.memory_space<hbm>> -> memref<10000xi32, #tpu.memory_space<hbm>>
      %dma_start3A_97 = tpu.memref_slice %arg4[%multiple_of3A] : memref<320000xi32, #tpu.memory_space<hbm>> -> memref<10000xi32, #tpu.memory_space<hbm>>
      tpu.enqueue_dma source(%dma_start3A_97 : memref<10000xi32, #tpu.memory_space<hbm>>) target(%arg7 : memref<10000xi32, #tpu.memory_space<vmem>>) target_semaphore(%run_scoped3A : memref<!tpu.dma_semaphore, #tpu.memory_space<semaphore_mem>>)
      %dma_wait3A_98 = tpu.memref_slice %arg4[%multiple_of3A] : memref<320000xi32, #tpu.memory_space<hbm>> -> memref<10000xi32, #tpu.memory_space<hbm>>
      %dma_wait3A_99 = tpu.memref_slice %arg4[%multiple_of3A] : memref<320000xi32, #tpu.memory_space<hbm>> -> memref<10000xi32, #tpu.memory_space<hbm>>
      tpu.wait_dma2 semaphore(%run_scoped3A : memref<!tpu.dma_semaphore, #tpu.memory_space<semaphore_mem>>) src(%dma_wait3A_99 : memref<10000xi32, #tpu.memory_space<hbm>>) dst(%arg7 : memref<10000xi32, #tpu.memory_space<vmem>>)
      tpu.yield
    }) : () -> ()
    %mul3A_3 = arith.constant 5000 : i32
    %mul3A_4 = arith.muli %add3A, %mul3A_3 : i32
    %dma_start3A = arith.constant 0 : i32
    %dma_start3A_5 = arith.constant 0 : i32
    %dma_start3A_6 = arith.constant 0 : i32
    %dma_start3A_7 = arith.constant 0 : i32
    %dma_start3A_8 = tpu.memref_slice %arg8[%dma_start3A, %dma_start3A_6, %dma_start3A_7] : memref<3x80x128xf32, #tpu.memory_space<vmem>> -> memref<1x80x128xf32, #tpu.memory_space<vmem>>
    %dma_start3A_9 = tpu.memref_squeeze %dma_start3A_8 : memref<1x80x128xf32, #tpu.memory_space<vmem>> -> memref<80x128xf32, #tpu.memory_space<vmem>>
    %dma_start3A_10 = arith.constant 0 : i32
    %dma_start3A_11 = tpu.memref_slice %arg6[%dma_start3A_10] : memref<10000xi32, #tpu.memory_space<vmem>> -> memref<80xi32, #tpu.memory_space<vmem>>
    %dma_start3A_12 = arith.constant 0 : i32
    %dma_start3A_13 = arith.constant 0 : i32
    %dma_start3A_14 = tpu.memref_slice %arg2[%dma_start3A_12, %dma_start3A_13] : memref<10000x128xf32, #tpu.memory_space<hbm>> -> memref<10000x128xf32, #tpu.memory_space<hbm>>
    %dma_start3A_15 = tpu.memref_slice %arg11[%dma_start3A_5] : memref<3x!tpu.dma_semaphore, #tpu.memory_space<semaphore_mem>> -> memref<1x!tpu.dma_semaphore, #tpu.memory_space<semaphore_mem>>
    %dma_start3A_16 = tpu.memref_squeeze %dma_start3A_15 : memref<1x!tpu.dma_semaphore, #tpu.memory_space<semaphore_mem>> -> memref<!tpu.dma_semaphore, #tpu.memory_space<semaphore_mem>>
    tpu.enqueue_indirect_dma source(%dma_start3A_14 : memref<10000x128xf32, #tpu.memory_space<hbm>>) target(%dma_start3A_9 : memref<80x128xf32, #tpu.memory_space<vmem>>) offsets(%dma_start3A_11 : memref<80xi32, #tpu.memory_space<vmem>>) semaphore(%dma_start3A_16 : memref<!tpu.dma_semaphore, #tpu.memory_space<semaphore_mem>>)
    %dma_start3A_17 = arith.constant 0 : i32
    %dma_start3A_18 = arith.constant 0 : i32
    %dma_start3A_19 = arith.constant 0 : i32
    %dma_start3A_20 = arith.constant 0 : i32
    %dma_start3A_21 = tpu.memref_slice %arg9[%dma_start3A_17, %dma_start3A_19, %dma_start3A_20] : memref<3x80x128xf32, #tpu.memory_space<vmem>> -> memref<1x80x128xf32, #tpu.memory_space<vmem>>
    %dma_start3A_22 = tpu.memref_squeeze %dma_start3A_21 : memref<1x80x128xf32, #tpu.memory_space<vmem>> -> memref<80x128xf32, #tpu.memory_space<vmem>>
    %dma_start3A_23 = arith.constant 0 : i32
    %dma_start3A_24 = tpu.memref_slice %arg7[%dma_start3A_23] : memref<10000xi32, #tpu.memory_space<vmem>> -> memref<80xi32, #tpu.memory_space<vmem>>
    %dma_start3A_25 = arith.constant 0 : i32
    %dma_start3A_26 = arith.constant 0 : i32
    %dma_start3A_27 = tpu.memref_slice %arg2[%dma_start3A_25, %dma_start3A_26] : memref<10000x128xf32, #tpu.memory_space<hbm>> -> memref<10000x128xf32, #tpu.memory_space<hbm>>
    %dma_start3A_28 = tpu.memref_slice %arg12[%dma_start3A_18] : memref<3x!tpu.dma_semaphore, #tpu.memory_space<semaphore_mem>> -> memref<1x!tpu.dma_semaphore, #tpu.memory_space<semaphore_mem>>
    %dma_start3A_29 = tpu.memref_squeeze %dma_start3A_28 : memref<1x!tpu.dma_semaphore, #tpu.memory_space<semaphore_mem>> -> memref<!tpu.dma_semaphore, #tpu.memory_space<semaphore_mem>>
    tpu.enqueue_indirect_dma source(%dma_start3A_27 : memref<10000x128xf32, #tpu.memory_space<hbm>>) target(%dma_start3A_22 : memref<80x128xf32, #tpu.memory_space<vmem>>) offsets(%dma_start3A_24 : memref<80xi32, #tpu.memory_space<vmem>>) semaphore(%dma_start3A_29 : memref<!tpu.dma_semaphore, #tpu.memory_space<semaphore_mem>>)
    %dma_start3A_30 = arith.constant 1 : i32
    %dma_start3A_31 = arith.constant 1 : i32
    %dma_start3A_32 = arith.constant 0 : i32
    %dma_start3A_33 = arith.constant 0 : i32
    %dma_start3A_34 = tpu.memref_slice %arg8[%dma_start3A_30, %dma_start3A_32, %dma_start3A_33] : memref<3x80x128xf32, #tpu.memory_space<vmem>> -> memref<1x80x128xf32, #tpu.memory_space<vmem>>
    %dma_start3A_35 = tpu.memref_squeeze %dma_start3A_34 : memref<1x80x128xf32, #tpu.memory_space<vmem>> -> memref<80x128xf32, #tpu.memory_space<vmem>>
    %dma_start3A_36 = arith.constant 80 : i32
    %dma_start3A_37 = tpu.memref_slice %arg6[%dma_start3A_36] : memref<10000xi32, #tpu.memory_space<vmem>> -> memref<80xi32, #tpu.memory_space<vmem>>
    %dma_start3A_38 = arith.constant 0 : i32
    %dma_start3A_39 = arith.constant 0 : i32
    %dma_start3A_40 = tpu.memref_slice %arg2[%dma_start3A_38, %dma_start3A_39] : memref<10000x128xf32, #tpu.memory_space<hbm>> -> memref<10000x128xf32, #tpu.memory_space<hbm>>
    %dma_start3A_41 = tpu.memref_slice %arg11[%dma_start3A_31] : memref<3x!tpu.dma_semaphore, #tpu.memory_space<semaphore_mem>> -> memref<1x!tpu.dma_semaphore, #tpu.memory_space<semaphore_mem>>
    %dma_start3A_42 = tpu.memref_squeeze %dma_start3A_41 : memref<1x!tpu.dma_semaphore, #tpu.memory_space<semaphore_mem>> -> memref<!tpu.dma_semaphore, #tpu.memory_space<semaphore_mem>>
    tpu.enqueue_indirect_dma source(%dma_start3A_40 : memref<10000x128xf32, #tpu.memory_space<hbm>>) target(%dma_start3A_35 : memref<80x128xf32, #tpu.memory_space<vmem>>) offsets(%dma_start3A_37 : memref<80xi32, #tpu.memory_space<vmem>>) semaphore(%dma_start3A_42 : memref<!tpu.dma_semaphore, #tpu.memory_space<semaphore_mem>>)
    %dma_start3A_43 = arith.constant 1 : i32
    %dma_start3A_44 = arith.constant 1 : i32
    %dma_start3A_45 = arith.constant 0 : i32
    %dma_start3A_46 = arith.constant 0 : i32
    %dma_start3A_47 = tpu.memref_slice %arg9[%dma_start3A_43, %dma_start3A_45, %dma_start3A_46] : memref<3x80x128xf32, #tpu.memory_space<vmem>> -> memref<1x80x128xf32, #tpu.memory_space<vmem>>
    %dma_start3A_48 = tpu.memref_squeeze %dma_start3A_47 : memref<1x80x128xf32, #tpu.memory_space<vmem>> -> memref<80x128xf32, #tpu.memory_space<vmem>>
    %dma_start3A_49 = arith.constant 80 : i32
    %dma_start3A_50 = tpu.memref_slice %arg7[%dma_start3A_49] : memref<10000xi32, #tpu.memory_space<vmem>> -> memref<80xi32, #tpu.memory_space<vmem>>
    %dma_start3A_51 = arith.constant 0 : i32
    %dma_start3A_52 = arith.constant 0 : i32
    %dma_start3A_53 = tpu.memref_slice %arg2[%dma_start3A_51, %dma_start3A_52] : memref<10000x128xf32, #tpu.memory_space<hbm>> -> memref<10000x128xf32, #tpu.memory_space<hbm>>
    %dma_start3A_54 = tpu.memref_slice %arg12[%dma_start3A_44] : memref<3x!tpu.dma_semaphore, #tpu.memory_space<semaphore_mem>> -> memref<1x!tpu.dma_semaphore, #tpu.memory_space<semaphore_mem>>
    %dma_start3A_55 = tpu.memref_squeeze %dma_start3A_54 : memref<1x!tpu.dma_semaphore, #tpu.memory_space<semaphore_mem>> -> memref<!tpu.dma_semaphore, #tpu.memory_space<semaphore_mem>>
    tpu.enqueue_indirect_dma source(%dma_start3A_53 : memref<10000x128xf32, #tpu.memory_space<hbm>>) target(%dma_start3A_48 : memref<80x128xf32, #tpu.memory_space<vmem>>) offsets(%dma_start3A_50 : memref<80xi32, #tpu.memory_space<vmem>>) semaphore(%dma_start3A_55 : memref<!tpu.dma_semaphore, #tpu.memory_space<semaphore_mem>>)
    %scan3A = arith.constant 0 : i32
    %scan3A_56 = arith.constant 0 : i32
    %scan3A_57 = arith.constant 125 : i32
    %scan3A_58 = arith.addi %scan3A_56, %scan3A_57 : i32
    %scan3A_59 = arith.constant 1 : i32
    scf.for %scan3A_96 = %scan3A_56 to %scan3A_58 step %scan3A_59  : i32 {
      %rem3A = arith.constant 3 : i32
      %rem3A_97 = arith.remsi %scan3A_96, %rem3A : i32
      %and3A = arith.constant 1 : i32
      %and3A_98 = arith.andi %scan3A_96, %and3A : i32
      %add3A_99 = arith.constant 2 : i32
      %add3A_100 = arith.addi %scan3A_96, %add3A_99 : i32
      %lt3A = arith.constant 125 : i32
      %lt3A_101 = arith.cmpi slt, %add3A_100, %lt3A : i32
      %convert_element_type3A = arith.extui %lt3A_101 : i1 to i32
      %cond3A = arith.constant 0 : i32
      %cond3A_102 = arith.cmpi ne, %convert_element_type3A, %cond3A : i32
      scf.if %cond3A_102 {
        %add3A_163 = arith.constant 2 : i32
        %add3A_164 = arith.addi %scan3A_96, %add3A_163 : i32
        %add3A_165 = arith.constant 2 : i32
        %add3A_166 = arith.addi %scan3A_96, %add3A_165 : i32
        %rem3A_167 = arith.constant 3 : i32
        %rem3A_168 = arith.remsi %add3A_166, %rem3A_167 : i32
        %mul3A_169 = arith.constant 80 : i32
        %mul3A_170 = arith.muli %add3A_164, %mul3A_169 : i32
        %dma_start3A_171 = arith.constant 0 : i32
        %dma_start3A_172 = arith.constant 0 : i32
        %dma_start3A_173 = tpu.memref_slice %arg8[%rem3A_168, %dma_start3A_171, %dma_start3A_172] : memref<3x80x128xf32, #tpu.memory_space<vmem>> -> memref<1x80x128xf32, #tpu.memory_space<vmem>>
        %dma_start3A_174 = tpu.memref_squeeze %dma_start3A_173 : memref<1x80x128xf32, #tpu.memory_space<vmem>> -> memref<80x128xf32, #tpu.memory_space<vmem>>
        %dma_start3A_175 = tpu.memref_slice %arg6[%mul3A_170] : memref<10000xi32, #tpu.memory_space<vmem>> -> memref<80xi32, #tpu.memory_space<vmem>>
        %dma_start3A_176 = arith.constant 0 : i32
        %dma_start3A_177 = arith.constant 0 : i32
        %dma_start3A_178 = tpu.memref_slice %arg2[%dma_start3A_176, %dma_start3A_177] : memref<10000x128xf32, #tpu.memory_space<hbm>> -> memref<10000x128xf32, #tpu.memory_space<hbm>>
        %dma_start3A_179 = tpu.memref_slice %arg11[%rem3A_168] : memref<3x!tpu.dma_semaphore, #tpu.memory_space<semaphore_mem>> -> memref<1x!tpu.dma_semaphore, #tpu.memory_space<semaphore_mem>>
        %dma_start3A_180 = tpu.memref_squeeze %dma_start3A_179 : memref<1x!tpu.dma_semaphore, #tpu.memory_space<semaphore_mem>> -> memref<!tpu.dma_semaphore, #tpu.memory_space<semaphore_mem>>
        tpu.enqueue_indirect_dma source(%dma_start3A_178 : memref<10000x128xf32, #tpu.memory_space<hbm>>) target(%dma_start3A_174 : memref<80x128xf32, #tpu.memory_space<vmem>>) offsets(%dma_start3A_175 : memref<80xi32, #tpu.memory_space<vmem>>) semaphore(%dma_start3A_180 : memref<!tpu.dma_semaphore, #tpu.memory_space<semaphore_mem>>)
        %mul3A_181 = arith.constant 80 : i32
        %mul3A_182 = arith.muli %add3A_164, %mul3A_181 : i32
        %dma_start3A_183 = arith.constant 0 : i32
        %dma_start3A_184 = arith.constant 0 : i32
        %dma_start3A_185 = tpu.memref_slice %arg9[%rem3A_168, %dma_start3A_183, %dma_start3A_184] : memref<3x80x128xf32, #tpu.memory_space<vmem>> -> memref<1x80x128xf32, #tpu.memory_space<vmem>>
        %dma_start3A_186 = tpu.memref_squeeze %dma_start3A_185 : memref<1x80x128xf32, #tpu.memory_space<vmem>> -> memref<80x128xf32, #tpu.memory_space<vmem>>
        %dma_start3A_187 = tpu.memref_slice %arg7[%mul3A_182] : memref<10000xi32, #tpu.memory_space<vmem>> -> memref<80xi32, #tpu.memory_space<vmem>>
        %dma_start3A_188 = arith.constant 0 : i32
        %dma_start3A_189 = arith.constant 0 : i32
        %dma_start3A_190 = tpu.memref_slice %arg2[%dma_start3A_188, %dma_start3A_189] : memref<10000x128xf32, #tpu.memory_space<hbm>> -> memref<10000x128xf32, #tpu.memory_space<hbm>>
        %dma_start3A_191 = tpu.memref_slice %arg12[%rem3A_168] : memref<3x!tpu.dma_semaphore, #tpu.memory_space<semaphore_mem>> -> memref<1x!tpu.dma_semaphore, #tpu.memory_space<semaphore_mem>>
        %dma_start3A_192 = tpu.memref_squeeze %dma_start3A_191 : memref<1x!tpu.dma_semaphore, #tpu.memory_space<semaphore_mem>> -> memref<!tpu.dma_semaphore, #tpu.memory_space<semaphore_mem>>
        tpu.enqueue_indirect_dma source(%dma_start3A_190 : memref<10000x128xf32, #tpu.memory_space<hbm>>) target(%dma_start3A_186 : memref<80x128xf32, #tpu.memory_space<vmem>>) offsets(%dma_start3A_187 : memref<80xi32, #tpu.memory_space<vmem>>) semaphore(%dma_start3A_192 : memref<!tpu.dma_semaphore, #tpu.memory_space<semaphore_mem>>)
      } else {
      }
      %dma_wait3A_103 = arith.constant 0 : i32
      %dma_wait3A_104 = arith.constant 0 : i32
      %dma_wait3A_105 = tpu.memref_slice %arg8[%rem3A_97, %dma_wait3A_103, %dma_wait3A_104] : memref<3x80x128xf32, #tpu.memory_space<vmem>> -> memref<1x80x128xf32, #tpu.memory_space<vmem>>
      %dma_wait3A_106 = tpu.memref_squeeze %dma_wait3A_105 : memref<1x80x128xf32, #tpu.memory_space<vmem>> -> memref<80x128xf32, #tpu.memory_space<vmem>>
      %dma_wait3A_107 = arith.constant 0 : i32
      %dma_wait3A_108 = arith.constant 0 : i32
      %dma_wait3A_109 = tpu.memref_slice %arg2[%dma_wait3A_107, %dma_wait3A_108] : memref<10000x128xf32, #tpu.memory_space<hbm>> -> memref<80x128xf32, #tpu.memory_space<hbm>>
      %dma_wait3A_110 = tpu.memref_slice %arg11[%rem3A_97] : memref<3x!tpu.dma_semaphore, #tpu.memory_space<semaphore_mem>> -> memref<1x!tpu.dma_semaphore, #tpu.memory_space<semaphore_mem>>
      %dma_wait3A_111 = tpu.memref_squeeze %dma_wait3A_110 : memref<1x!tpu.dma_semaphore, #tpu.memory_space<semaphore_mem>> -> memref<!tpu.dma_semaphore, #tpu.memory_space<semaphore_mem>>
      %dma_wait3A_112 = arith.constant 0 : i32
      %dma_wait3A_113 = arith.constant 0 : i32
      %dma_wait3A_114 = tpu.memref_slice %arg8[%rem3A_97, %dma_wait3A_112, %dma_wait3A_113] : memref<3x80x128xf32, #tpu.memory_space<vmem>> -> memref<1x80x128xf32, #tpu.memory_space<vmem>>
      %dma_wait3A_115 = tpu.memref_squeeze %dma_wait3A_114 : memref<1x80x128xf32, #tpu.memory_space<vmem>> -> memref<80x128xf32, #tpu.memory_space<vmem>>
      %dma_wait3A_116 = arith.constant 0 : i32
      %dma_wait3A_117 = arith.constant 0 : i32
      %dma_wait3A_118 = tpu.memref_slice %arg2[%dma_wait3A_116, %dma_wait3A_117] : memref<10000x128xf32, #tpu.memory_space<hbm>> -> memref<80x128xf32, #tpu.memory_space<hbm>>
      tpu.wait_dma2 semaphore(%dma_wait3A_111 : memref<!tpu.dma_semaphore, #tpu.memory_space<semaphore_mem>>) src(%dma_wait3A_118 : memref<80x128xf32, #tpu.memory_space<hbm>>) dst(%dma_wait3A_115 : memref<80x128xf32, #tpu.memory_space<vmem>>)
      %dma_wait3A_119 = arith.constant 0 : i32
      %dma_wait3A_120 = arith.constant 0 : i32
      %dma_wait3A_121 = tpu.memref_slice %arg9[%rem3A_97, %dma_wait3A_119, %dma_wait3A_120] : memref<3x80x128xf32, #tpu.memory_space<vmem>> -> memref<1x80x128xf32, #tpu.memory_space<vmem>>
      %dma_wait3A_122 = tpu.memref_squeeze %dma_wait3A_121 : memref<1x80x128xf32, #tpu.memory_space<vmem>> -> memref<80x128xf32, #tpu.memory_space<vmem>>
      %dma_wait3A_123 = arith.constant 0 : i32
      %dma_wait3A_124 = arith.constant 0 : i32
      %dma_wait3A_125 = tpu.memref_slice %arg2[%dma_wait3A_123, %dma_wait3A_124] : memref<10000x128xf32, #tpu.memory_space<hbm>> -> memref<80x128xf32, #tpu.memory_space<hbm>>
      %dma_wait3A_126 = tpu.memref_slice %arg12[%rem3A_97] : memref<3x!tpu.dma_semaphore, #tpu.memory_space<semaphore_mem>> -> memref<1x!tpu.dma_semaphore, #tpu.memory_space<semaphore_mem>>
      %dma_wait3A_127 = tpu.memref_squeeze %dma_wait3A_126 : memref<1x!tpu.dma_semaphore, #tpu.memory_space<semaphore_mem>> -> memref<!tpu.dma_semaphore, #tpu.memory_space<semaphore_mem>>
      %dma_wait3A_128 = arith.constant 0 : i32
      %dma_wait3A_129 = arith.constant 0 : i32
      %dma_wait3A_130 = tpu.memref_slice %arg9[%rem3A_97, %dma_wait3A_128, %dma_wait3A_129] : memref<3x80x128xf32, #tpu.memory_space<vmem>> -> memref<1x80x128xf32, #tpu.memory_space<vmem>>
      %dma_wait3A_131 = tpu.memref_squeeze %dma_wait3A_130 : memref<1x80x128xf32, #tpu.memory_space<vmem>> -> memref<80x128xf32, #tpu.memory_space<vmem>>
      %dma_wait3A_132 = arith.constant 0 : i32
      %dma_wait3A_133 = arith.constant 0 : i32
      %dma_wait3A_134 = tpu.memref_slice %arg2[%dma_wait3A_132, %dma_wait3A_133] : memref<10000x128xf32, #tpu.memory_space<hbm>> -> memref<80x128xf32, #tpu.memory_space<hbm>>
      tpu.wait_dma2 semaphore(%dma_wait3A_127 : memref<!tpu.dma_semaphore, #tpu.memory_space<semaphore_mem>>) src(%dma_wait3A_134 : memref<80x128xf32, #tpu.memory_space<hbm>>) dst(%dma_wait3A_131 : memref<80x128xf32, #tpu.memory_space<vmem>>)
      %ge3A = arith.constant 2 : i32
      %ge3A_135 = arith.cmpi sge, %scan3A_96, %ge3A : i32
      %convert_element_type3A_136 = arith.extui %ge3A_135 : i1 to i32
      %cond3A_137 = arith.constant 0 : i32
      %cond3A_138 = arith.cmpi ne, %convert_element_type3A_136, %cond3A_137 : i32
      scf.if %cond3A_138 {
        %dma_wait3A_163 = arith.constant 0 : i32
        %dma_wait3A_164 = arith.constant 0 : i32
        %dma_wait3A_165 = tpu.memref_slice %arg10[%and3A_98, %dma_wait3A_163, %dma_wait3A_164] : memref<2x40x128xf32, #tpu.memory_space<vmem>> -> memref<1x40x128xf32, #tpu.memory_space<vmem>>
        %dma_wait3A_166 = tpu.memref_squeeze %dma_wait3A_165 : memref<1x40x128xf32, #tpu.memory_space<vmem>> -> memref<40x128xf32, #tpu.memory_space<vmem>>
        %dma_wait3A_167 = arith.constant 0 : i32
        %dma_wait3A_168 = arith.constant 0 : i32
        %dma_wait3A_169 = tpu.memref_slice %arg5[%dma_wait3A_167, %dma_wait3A_168] : memref<160000x128xf32, #tpu.memory_space<hbm>> -> memref<40x128xf32, #tpu.memory_space<hbm>>
        %dma_wait3A_170 = tpu.memref_slice %arg13[%and3A_98] : memref<2x!tpu.dma_semaphore, #tpu.memory_space<semaphore_mem>> -> memref<1x!tpu.dma_semaphore, #tpu.memory_space<semaphore_mem>>
        %dma_wait3A_171 = tpu.memref_squeeze %dma_wait3A_170 : memref<1x!tpu.dma_semaphore, #tpu.memory_space<semaphore_mem>> -> memref<!tpu.dma_semaphore, #tpu.memory_space<semaphore_mem>>
        %dma_wait3A_172 = arith.constant 0 : i32
        %dma_wait3A_173 = arith.constant 0 : i32
        %dma_wait3A_174 = tpu.memref_slice %arg10[%and3A_98, %dma_wait3A_172, %dma_wait3A_173] : memref<2x40x128xf32, #tpu.memory_space<vmem>> -> memref<1x40x128xf32, #tpu.memory_space<vmem>>
        %dma_wait3A_175 = tpu.memref_squeeze %dma_wait3A_174 : memref<1x40x128xf32, #tpu.memory_space<vmem>> -> memref<40x128xf32, #tpu.memory_space<vmem>>
        %dma_wait3A_176 = arith.constant 0 : i32
        %dma_wait3A_177 = arith.constant 0 : i32
        %dma_wait3A_178 = tpu.memref_slice %arg5[%dma_wait3A_176, %dma_wait3A_177] : memref<160000x128xf32, #tpu.memory_space<hbm>> -> memref<40x128xf32, #tpu.memory_space<hbm>>
        tpu.wait_dma2 semaphore(%dma_wait3A_171 : memref<!tpu.dma_semaphore, #tpu.memory_space<semaphore_mem>>) src(%dma_wait3A_178 : memref<40x128xf32, #tpu.memory_space<hbm>>) dst(%dma_wait3A_175 : memref<40x128xf32, #tpu.memory_space<vmem>>)
      } else {
      }
      %scan3A_139 = arith.constant 0 : i32
      %scan3A_140 = arith.constant 0 : i32
      %scan3A_141 = arith.constant 10 : i32
      %scan3A_142 = arith.addi %scan3A_140, %scan3A_141 : i32
      %scan3A_143 = arith.constant 1 : i32
      scf.for %scan3A_163 = %scan3A_140 to %scan3A_142 step %scan3A_143  : i32 {
        %mul3A_164 = arith.constant 4 : i32
        %mul3A_165 = arith.muli %mul3A_164, %scan3A_163 : i32
        %add3A_166 = arith.constant 0 : i32
        %add3A_167 = arith.addi %mul3A_165, %add3A_166 : i32
        %mul3A_168 = arith.constant 2 : i32
        %mul3A_169 = arith.muli %mul3A_168, %add3A_167 : i32
        %add3A_170 = arith.constant 1 : i32
        %add3A_171 = arith.addi %mul3A_169, %add3A_170 : i32
        %get3A = arith.index_cast %rem3A_97 : i32 to index
        %get3A_172 = arith.index_cast %mul3A_169 : i32 to index
        %get3A_173 = arith.constant 0 : index
        %get3A_174 = tpu.vector_load %arg8[%get3A, %get3A_172, %get3A_173] {strides = array<i32>} : memref<3x80x128xf32, #tpu.memory_space<vmem>>, vector<1x1x16xf32>,
        %get3A_175 = vector.shape_cast %get3A_174 : vector<1x1x16xf32> to vector<16xf32>
        %get3A_176 = arith.index_cast %rem3A_97 : i32 to index
        %get3A_177 = arith.index_cast %mul3A_169 : i32 to index
        %get3A_178 = arith.constant 64 : index
        %get3A_179 = tpu.vector_load %arg9[%get3A_176, %get3A_177, %get3A_178] {strides = array<i32>} : memref<3x80x128xf32, #tpu.memory_space<vmem>>, vector<1x1x16xf32>,
        %get3A_180 = vector.shape_cast %get3A_179 : vector<1x1x16xf32> to vector<16xf32>
        %add3A_181 = arith.addf %get3A_175, %get3A_180 : vector<16xf32>
        %swap3A = arith.index_cast %and3A_98 : i32 to index
        %swap3A_182 = arith.index_cast %add3A_167 : i32 to index
        %swap3A_183 = arith.constant 0 : index
        %swap3A_184 = tpu.vector_load %arg10[%swap3A, %swap3A_182, %swap3A_183] {strides = array<i32>} : memref<2x40x128xf32, #tpu.memory_space<vmem>>, vector<1x1x16xf32>,
        %swap3A_185 = vector.shape_cast %swap3A_184 : vector<1x1x16xf32> to vector<16xf32>
        %swap3A_186 = vector.shape_cast %add3A_181 : vector<16xf32> to vector<1x1x16xf32>
        tpu.vector_store %arg10[%swap3A, %swap3A_182, %swap3A_183], %swap3A_186 {strides = array<i32>} : memref<2x40x128xf32, #tpu.memory_space<vmem>>, vector<1x1x16xf32>,
        %get3A_187 = arith.index_cast %rem3A_97 : i32 to index
        %get3A_188 = arith.index_cast %add3A_171 : i32 to index
        %get3A_189 = arith.constant 0 : index
        %get3A_190 = tpu.vector_load %arg8[%get3A_187, %get3A_188, %get3A_189] {strides = array<i32>} : memref<3x80x128xf32, #tpu.memory_space<vmem>>, vector<1x1x16xf32>,
        %get3A_191 = vector.shape_cast %get3A_190 : vector<1x1x16xf32> to vector<16xf32>
        %get3A_192 = arith.index_cast %rem3A_97 : i32 to index
        %get3A_193 = arith.index_cast %add3A_171 : i32 to index
        %get3A_194 = arith.constant 64 : index
        %get3A_195 = tpu.vector_load %arg9[%get3A_192, %get3A_193, %get3A_194] {strides = array<i32>} : memref<3x80x128xf32, #tpu.memory_space<vmem>>, vector<1x1x16xf32>,
        %get3A_196 = vector.shape_cast %get3A_195 : vector<1x1x16xf32> to vector<16xf32>
        %add3A_197 = arith.addf %get3A_191, %get3A_196 : vector<16xf32>
        %swap3A_198 = arith.index_cast %and3A_98 : i32 to index
        %swap3A_199 = arith.index_cast %add3A_167 : i32 to index
        %swap3A_200 = arith.constant 64 : index
        %swap3A_201 = tpu.vector_load %arg10[%swap3A_198, %swap3A_199, %swap3A_200] {strides = array<i32>} : memref<2x40x128xf32, #tpu.memory_space<vmem>>, vector<1x1x16xf32>,
        %swap3A_202 = vector.shape_cast %swap3A_201 : vector<1x1x16xf32> to vector<16xf32>
        %swap3A_203 = vector.shape_cast %add3A_197 : vector<16xf32> to vector<1x1x16xf32>
        tpu.vector_store %arg10[%swap3A_198, %swap3A_199, %swap3A_200], %swap3A_203 {strides = array<i32>} : memref<2x40x128xf32, #tpu.memory_space<vmem>>, vector<1x1x16xf32>,
        %get3A_204 = arith.index_cast %rem3A_97 : i32 to index
        %get3A_205 = arith.index_cast %mul3A_169 : i32 to index
        %get3A_206 = arith.constant 16 : index
        %get3A_207 = tpu.vector_load %arg8[%get3A_204, %get3A_205, %get3A_206] {strides = array<i32>} : memref<3x80x128xf32, #tpu.memory_space<vmem>>, vector<1x1x16xf32>,
        %get3A_208 = vector.shape_cast %get3A_207 : vector<1x1x16xf32> to vector<16xf32>
        %get3A_209 = arith.index_cast %rem3A_97 : i32 to index
        %get3A_210 = arith.index_cast %mul3A_169 : i32 to index
        %get3A_211 = arith.constant 80 : index
        %get3A_212 = tpu.vector_load %arg9[%get3A_209, %get3A_210, %get3A_211] {strides = array<i32>} : memref<3x80x128xf32, #tpu.memory_space<vmem>>, vector<1x1x16xf32>,
        %get3A_213 = vector.shape_cast %get3A_212 : vector<1x1x16xf32> to vector<16xf32>
        %add3A_214 = arith.addf %get3A_208, %get3A_213 : vector<16xf32>
        %swap3A_215 = arith.index_cast %and3A_98 : i32 to index
        %swap3A_216 = arith.index_cast %add3A_167 : i32 to index
        %swap3A_217 = arith.constant 16 : index
        %swap3A_218 = tpu.vector_load %arg10[%swap3A_215, %swap3A_216, %swap3A_217] {strides = array<i32>} : memref<2x40x128xf32, #tpu.memory_space<vmem>>, vector<1x1x16xf32>,
        %swap3A_219 = vector.shape_cast %swap3A_218 : vector<1x1x16xf32> to vector<16xf32>
        %swap3A_220 = vector.shape_cast %add3A_214 : vector<16xf32> to vector<1x1x16xf32>
        tpu.vector_store %arg10[%swap3A_215, %swap3A_216, %swap3A_217], %swap3A_220 {strides = array<i32>} : memref<2x40x128xf32, #tpu.memory_space<vmem>>, vector<1x1x16xf32>,
        %get3A_221 = arith.index_cast %rem3A_97 : i32 to index
        %get3A_222 = arith.index_cast %add3A_171 : i32 to index
        %get3A_223 = arith.constant 16 : index
        %get3A_224 = tpu.vector_load %arg8[%get3A_221, %get3A_222, %get3A_223] {strides = array<i32>} : memref<3x80x128xf32, #tpu.memory_space<vmem>>, vector<1x1x16xf32>,
        %get3A_225 = vector.shape_cast %get3A_224 : vector<1x1x16xf32> to vector<16xf32>
        %get3A_226 = arith.index_cast %rem3A_97 : i32 to index
        %get3A_227 = arith.index_cast %add3A_171 : i32 to index
        %get3A_228 = arith.constant 80 : index
        %get3A_229 = tpu.vector_load %arg9[%get3A_226, %get3A_227, %get3A_228] {strides = array<i32>} : memref<3x80x128xf32, #tpu.memory_space<vmem>>, vector<1x1x16xf32>,
        %get3A_230 = vector.shape_cast %get3A_229 : vector<1x1x16xf32> to vector<16xf32>
        %add3A_231 = arith.addf %get3A_225, %get3A_230 : vector<16xf32>
        %swap3A_232 = arith.index_cast %and3A_98 : i32 to index
        %swap3A_233 = arith.index_cast %add3A_167 : i32 to index
        %swap3A_234 = arith.constant 80 : index
        %swap3A_235 = tpu.vector_load %arg10[%swap3A_232, %swap3A_233, %swap3A_234] {strides = array<i32>} : memref<2x40x128xf32, #tpu.memory_space<vmem>>, vector<1x1x16xf32>,
        %swap3A_236 = vector.shape_cast %swap3A_235 : vector<1x1x16xf32> to vector<16xf32>
        %swap3A_237 = vector.shape_cast %add3A_231 : vector<16xf32> to vector<1x1x16xf32>
        tpu.vector_store %arg10[%swap3A_232, %swap3A_233, %swap3A_234], %swap3A_237 {strides = array<i32>} : memref<2x40x128xf32, #tpu.memory_space<vmem>>, vector<1x1x16xf32>,
        %get3A_238 = arith.index_cast %rem3A_97 : i32 to index
        %get3A_239 = arith.index_cast %mul3A_169 : i32 to index
        %get3A_240 = arith.constant 32 : index
        %get3A_241 = tpu.vector_load %arg8[%get3A_238, %get3A_239, %get3A_240] {strides = array<i32>} : memref<3x80x128xf32, #tpu.memory_space<vmem>>, vector<1x1x16xf32>,
        %get3A_242 = vector.shape_cast %get3A_241 : vector<1x1x16xf32> to vector<16xf32>
        %get3A_243 = arith.index_cast %rem3A_97 : i32 to index
        %get3A_244 = arith.index_cast %mul3A_169 : i32 to index
        %get3A_245 = arith.constant 96 : index
        %get3A_246 = tpu.vector_load %arg9[%get3A_243, %get3A_244, %get3A_245] {strides = array<i32>} : memref<3x80x128xf32, #tpu.memory_space<vmem>>, vector<1x1x16xf32>,
        %get3A_247 = vector.shape_cast %get3A_246 : vector<1x1x16xf32> to vector<16xf32>
        %add3A_248 = arith.addf %get3A_242, %get3A_247 : vector<16xf32>
        %swap3A_249 = arith.index_cast %and3A_98 : i32 to index
        %swap3A_250 = arith.index_cast %add3A_167 : i32 to index
        %swap3A_251 = arith.constant 32 : index
        %swap3A_252 = tpu.vector_load %arg10[%swap3A_249, %swap3A_250, %swap3A_251] {strides = array<i32>} : memref<2x40x128xf32, #tpu.memory_space<vmem>>, vector<1x1x16xf32>,
        %swap3A_253 = vector.shape_cast %swap3A_252 : vector<1x1x16xf32> to vector<16xf32>
        %swap3A_254 = vector.shape_cast %add3A_248 : vector<16xf32> to vector<1x1x16xf32>
        tpu.vector_store %arg10[%swap3A_249, %swap3A_250, %swap3A_251], %swap3A_254 {strides = array<i32>} : memref<2x40x128xf32, #tpu.memory_space<vmem>>, vector<1x1x16xf32>,
        %get3A_255 = arith.index_cast %rem3A_97 : i32 to index
        %get3A_256 = arith.index_cast %add3A_171 : i32 to index
        %get3A_257 = arith.constant 32 : index
        %get3A_258 = tpu.vector_load %arg8[%get3A_255, %get3A_256, %get3A_257] {strides = array<i32>} : memref<3x80x128xf32, #tpu.memory_space<vmem>>, vector<1x1x16xf32>,
        %get3A_259 = vector.shape_cast %get3A_258 : vector<1x1x16xf32> to vector<16xf32>
        %get3A_260 = arith.index_cast %rem3A_97 : i32 to index
        %get3A_261 = arith.index_cast %add3A_171 : i32 to index
        %get3A_262 = arith.constant 96 : index
        %get3A_263 = tpu.vector_load %arg9[%get3A_260, %get3A_261, %get3A_262] {strides = array<i32>} : memref<3x80x128xf32, #tpu.memory_space<vmem>>, vector<1x1x16xf32>,
        %get3A_264 = vector.shape_cast %get3A_263 : vector<1x1x16xf32> to vector<16xf32>
        %add3A_265 = arith.addf %get3A_259, %get3A_264 : vector<16xf32>
        %swap3A_266 = arith.index_cast %and3A_98 : i32 to index
        %swap3A_267 = arith.index_cast %add3A_167 : i32 to index
        %swap3A_268 = arith.constant 96 : index
        %swap3A_269 = tpu.vector_load %arg10[%swap3A_266, %swap3A_267, %swap3A_268] {strides = array<i32>} : memref<2x40x128xf32, #tpu.memory_space<vmem>>, vector<1x1x16xf32>,
        %swap3A_270 = vector.shape_cast %swap3A_269 : vector<1x1x16xf32> to vector<16xf32>
        %swap3A_271 = vector.shape_cast %add3A_265 : vector<16xf32> to vector<1x1x16xf32>
        tpu.vector_store %arg10[%swap3A_266, %swap3A_267, %swap3A_268], %swap3A_271 {strides = array<i32>} : memref<2x40x128xf32, #tpu.memory_space<vmem>>, vector<1x1x16xf32>,
        %get3A_272 = arith.index_cast %rem3A_97 : i32 to index
        %get3A_273 = arith.index_cast %mul3A_169 : i32 to index
        %get3A_274 = arith.constant 48 : index
        %get3A_275 = tpu.vector_load %arg8[%get3A_272, %get3A_273, %get3A_274] {strides = array<i32>} : memref<3x80x128xf32, #tpu.memory_space<vmem>>, vector<1x1x16xf32>,
        %get3A_276 = vector.shape_cast %get3A_275 : vector<1x1x16xf32> to vector<16xf32>
        %get3A_277 = arith.index_cast %rem3A_97 : i32 to index
        %get3A_278 = arith.index_cast %mul3A_169 : i32 to index
        %get3A_279 = arith.constant 112 : index
        %get3A_280 = tpu.vector_load %arg9[%get3A_277, %get3A_278, %get3A_279] {strides = array<i32>} : memref<3x80x128xf32, #tpu.memory_space<vmem>>, vector<1x1x16xf32>,
        %get3A_281 = vector.shape_cast %get3A_280 : vector<1x1x16xf32> to vector<16xf32>
        %add3A_282 = arith.addf %get3A_276, %get3A_281 : vector<16xf32>
        %swap3A_283 = arith.index_cast %and3A_98 : i32 to index
        %swap3A_284 = arith.index_cast %add3A_167 : i32 to index
        %swap3A_285 = arith.constant 48 : index
        %swap3A_286 = tpu.vector_load %arg10[%swap3A_283, %swap3A_284, %swap3A_285] {strides = array<i32>} : memref<2x40x128xf32, #tpu.memory_space<vmem>>, vector<1x1x16xf32>,
        %swap3A_287 = vector.shape_cast %swap3A_286 : vector<1x1x16xf32> to vector<16xf32>
        %swap3A_288 = vector.shape_cast %add3A_282 : vector<16xf32> to vector<1x1x16xf32>
        tpu.vector_store %arg10[%swap3A_283, %swap3A_284, %swap3A_285], %swap3A_288 {strides = array<i32>} : memref<2x40x128xf32, #tpu.memory_space<vmem>>, vector<1x1x16xf32>,
        %get3A_289 = arith.index_cast %rem3A_97 : i32 to index
        %get3A_290 = arith.index_cast %add3A_171 : i32 to index
        %get3A_291 = arith.constant 48 : index
        %get3A_292 = tpu.vector_load %arg8[%get3A_289, %get3A_290, %get3A_291] {strides = array<i32>} : memref<3x80x128xf32, #tpu.memory_space<vmem>>, vector<1x1x16xf32>,
        %get3A_293 = vector.shape_cast %get3A_292 : vector<1x1x16xf32> to vector<16xf32>
        %get3A_294 = arith.index_cast %rem3A_97 : i32 to index
        %get3A_295 = arith.index_cast %add3A_171 : i32 to index
        %get3A_296 = arith.constant 112 : index
        %get3A_297 = tpu.vector_load %arg9[%get3A_294, %get3A_295, %get3A_296] {strides = array<i32>} : memref<3x80x128xf32, #tpu.memory_space<vmem>>, vector<1x1x16xf32>,
        %get3A_298 = vector.shape_cast %get3A_297 : vector<1x1x16xf32> to vector<16xf32>
        %add3A_299 = arith.addf %get3A_293, %get3A_298 : vector<16xf32>
        %swap3A_300 = arith.index_cast %and3A_98 : i32 to index
        %swap3A_301 = arith.index_cast %add3A_167 : i32 to index
        %swap3A_302 = arith.constant 112 : index
        %swap3A_303 = tpu.vector_load %arg10[%swap3A_300, %swap3A_301, %swap3A_302] {strides = array<i32>} : memref<2x40x128xf32, #tpu.memory_space<vmem>>, vector<1x1x16xf32>,
        %swap3A_304 = vector.shape_cast %swap3A_303 : vector<1x1x16xf32> to vector<16xf32>
        %swap3A_305 = vector.shape_cast %add3A_299 : vector<16xf32> to vector<1x1x16xf32>
        tpu.vector_store %arg10[%swap3A_300, %swap3A_301, %swap3A_302], %swap3A_305 {strides = array<i32>} : memref<2x40x128xf32, #tpu.memory_space<vmem>>, vector<1x1x16xf32>,
        %mul3A_306 = arith.constant 4 : i32
        %mul3A_307 = arith.muli %mul3A_306, %scan3A_163 : i32
        %add3A_308 = arith.constant 1 : i32
        %add3A_309 = arith.addi %mul3A_307, %add3A_308 : i32
        %mul3A_310 = arith.constant 2 : i32
        %mul3A_311 = arith.muli %mul3A_310, %add3A_309 : i32
        %add3A_312 = arith.constant 1 : i32
        %add3A_313 = arith.addi %mul3A_311, %add3A_312 : i32
        %get3A_314 = arith.index_cast %rem3A_97 : i32 to index
        %get3A_315 = arith.index_cast %mul3A_311 : i32 to index
        %get3A_316 = arith.constant 0 : index
        %get3A_317 = tpu.vector_load %arg8[%get3A_314, %get3A_315, %get3A_316] {strides = array<i32>} : memref<3x80x128xf32, #tpu.memory_space<vmem>>, vector<1x1x16xf32>,
        %get3A_318 = vector.shape_cast %get3A_317 : vector<1x1x16xf32> to vector<16xf32>
        %get3A_319 = arith.index_cast %rem3A_97 : i32 to index
        %get3A_320 = arith.index_cast %mul3A_311 : i32 to index
        %get3A_321 = arith.constant 64 : index
        %get3A_322 = tpu.vector_load %arg9[%get3A_319, %get3A_320, %get3A_321] {strides = array<i32>} : memref<3x80x128xf32, #tpu.memory_space<vmem>>, vector<1x1x16xf32>,
        %get3A_323 = vector.shape_cast %get3A_322 : vector<1x1x16xf32> to vector<16xf32>
        %add3A_324 = arith.addf %get3A_318, %get3A_323 : vector<16xf32>
        %swap3A_325 = arith.index_cast %and3A_98 : i32 to index
        %swap3A_326 = arith.index_cast %add3A_309 : i32 to index
        %swap3A_327 = arith.constant 0 : index
        %swap3A_328 = tpu.vector_load %arg10[%swap3A_325, %swap3A_326, %swap3A_327] {strides = array<i32>} : memref<2x40x128xf32, #tpu.memory_space<vmem>>, vector<1x1x16xf32>,
        %swap3A_329 = vector.shape_cast %swap3A_328 : vector<1x1x16xf32> to vector<16xf32>
        %swap3A_330 = vector.shape_cast %add3A_324 : vector<16xf32> to vector<1x1x16xf32>
        tpu.vector_store %arg10[%swap3A_325, %swap3A_326, %swap3A_327], %swap3A_330 {strides = array<i32>} : memref<2x40x128xf32, #tpu.memory_space<vmem>>, vector<1x1x16xf32>,
        %get3A_331 = arith.index_cast %rem3A_97 : i32 to index
        %get3A_332 = arith.index_cast %add3A_313 : i32 to index
        %get3A_333 = arith.constant 0 : index
        %get3A_334 = tpu.vector_load %arg8[%get3A_331, %get3A_332, %get3A_333] {strides = array<i32>} : memref<3x80x128xf32, #tpu.memory_space<vmem>>, vector<1x1x16xf32>,
        %get3A_335 = vector.shape_cast %get3A_334 : vector<1x1x16xf32> to vector<16xf32>
        %get3A_336 = arith.index_cast %rem3A_97 : i32 to index
        %get3A_337 = arith.index_cast %add3A_313 : i32 to index
        %get3A_338 = arith.constant 64 : index
        %get3A_339 = tpu.vector_load %arg9[%get3A_336, %get3A_337, %get3A_338] {strides = array<i32>} : memref<3x80x128xf32, #tpu.memory_space<vmem>>, vector<1x1x16xf32>,
        %get3A_340 = vector.shape_cast %get3A_339 : vector<1x1x16xf32> to vector<16xf32>
        %add3A_341 = arith.addf %get3A_335, %get3A_340 : vector<16xf32>
        %swap3A_342 = arith.index_cast %and3A_98 : i32 to index
        %swap3A_343 = arith.index_cast %add3A_309 : i32 to index
        %swap3A_344 = arith.constant 64 : index
        %swap3A_345 = tpu.vector_load %arg10[%swap3A_342, %swap3A_343, %swap3A_344] {strides = array<i32>} : memref<2x40x128xf32, #tpu.memory_space<vmem>>, vector<1x1x16xf32>,
        %swap3A_346 = vector.shape_cast %swap3A_345 : vector<1x1x16xf32> to vector<16xf32>
        %swap3A_347 = vector.shape_cast %add3A_341 : vector<16xf32> to vector<1x1x16xf32>
        tpu.vector_store %arg10[%swap3A_342, %swap3A_343, %swap3A_344], %swap3A_347 {strides = array<i32>} : memref<2x40x128xf32, #tpu.memory_space<vmem>>, vector<1x1x16xf32>,
        %get3A_348 = arith.index_cast %rem3A_97 : i32 to index
        %get3A_349 = arith.index_cast %mul3A_311 : i32 to index
        %get3A_350 = arith.constant 16 : index
        %get3A_351 = tpu.vector_load %arg8[%get3A_348, %get3A_349, %get3A_350] {strides = array<i32>} : memref<3x80x128xf32, #tpu.memory_space<vmem>>, vector<1x1x16xf32>,
        %get3A_352 = vector.shape_cast %get3A_351 : vector<1x1x16xf32> to vector<16xf32>
        %get3A_353 = arith.index_cast %rem3A_97 : i32 to index
        %get3A_354 = arith.index_cast %mul3A_311 : i32 to index
        %get3A_355 = arith.constant 80 : index
        %get3A_356 = tpu.vector_load %arg9[%get3A_353, %get3A_354, %get3A_355] {strides = array<i32>} : memref<3x80x128xf32, #tpu.memory_space<vmem>>, vector<1x1x16xf32>,
        %get3A_357 = vector.shape_cast %get3A_356 : vector<1x1x16xf32> to vector<16xf32>
        %add3A_358 = arith.addf %get3A_352, %get3A_357 : vector<16xf32>
        %swap3A_359 = arith.index_cast %and3A_98 : i32 to index
        %swap3A_360 = arith.index_cast %add3A_309 : i32 to index
        %swap3A_361 = arith.constant 16 : index
        %swap3A_362 = tpu.vector_load %arg10[%swap3A_359, %swap3A_360, %swap3A_361] {strides = array<i32>} : memref<2x40x128xf32, #tpu.memory_space<vmem>>, vector<1x1x16xf32>,
        %swap3A_363 = vector.shape_cast %swap3A_362 : vector<1x1x16xf32> to vector<16xf32>
        %swap3A_364 = vector.shape_cast %add3A_358 : vector<16xf32> to vector<1x1x16xf32>
        tpu.vector_store %arg10[%swap3A_359, %swap3A_360, %swap3A_361], %swap3A_364 {strides = array<i32>} : memref<2x40x128xf32, #tpu.memory_space<vmem>>, vector<1x1x16xf32>,
        %get3A_365 = arith.index_cast %rem3A_97 : i32 to index
        %get3A_366 = arith.index_cast %add3A_313 : i32 to index
        %get3A_367 = arith.constant 16 : index
        %get3A_368 = tpu.vector_load %arg8[%get3A_365, %get3A_366, %get3A_367] {strides = array<i32>} : memref<3x80x128xf32, #tpu.memory_space<vmem>>, vector<1x1x16xf32>,
        %get3A_369 = vector.shape_cast %get3A_368 : vector<1x1x16xf32> to vector<16xf32>
        %get3A_370 = arith.index_cast %rem3A_97 : i32 to index
        %get3A_371 = arith.index_cast %add3A_313 : i32 to index
        %get3A_372 = arith.constant 80 : index
        %get3A_373 = tpu.vector_load %arg9[%get3A_370, %get3A_371, %get3A_372] {strides = array<i32>} : memref<3x80x128xf32, #tpu.memory_space<vmem>>, vector<1x1x16xf32>,
        %get3A_374 = vector.shape_cast %get3A_373 : vector<1x1x16xf32> to vector<16xf32>
        %add3A_375 = arith.addf %get3A_369, %get3A_374 : vector<16xf32>
        %swap3A_376 = arith.index_cast %and3A_98 : i32 to index
        %swap3A_377 = arith.index_cast %add3A_309 : i32 to index
        %swap3A_378 = arith.constant 80 : index
        %swap3A_379 = tpu.vector_load %arg10[%swap3A_376, %swap3A_377, %swap3A_378] {strides = array<i32>} : memref<2x40x128xf32, #tpu.memory_space<vmem>>, vector<1x1x16xf32>,
        %swap3A_380 = vector.shape_cast %swap3A_379 : vector<1x1x16xf32> to vector<16xf32>
        %swap3A_381 = vector.shape_cast %add3A_375 : vector<16xf32> to vector<1x1x16xf32>
        tpu.vector_store %arg10[%swap3A_376, %swap3A_377, %swap3A_378], %swap3A_381 {strides = array<i32>} : memref<2x40x128xf32, #tpu.memory_space<vmem>>, vector<1x1x16xf32>,
        %get3A_382 = arith.index_cast %rem3A_97 : i32 to index
        %get3A_383 = arith.index_cast %mul3A_311 : i32 to index
        %get3A_384 = arith.constant 32 : index
        %get3A_385 = tpu.vector_load %arg8[%get3A_382, %get3A_383, %get3A_384] {strides = array<i32>} : memref<3x80x128xf32, #tpu.memory_space<vmem>>, vector<1x1x16xf32>,
        %get3A_386 = vector.shape_cast %get3A_385 : vector<1x1x16xf32> to vector<16xf32>
        %get3A_387 = arith.index_cast %rem3A_97 : i32 to index
        %get3A_388 = arith.index_cast %mul3A_311 : i32 to index
        %get3A_389 = arith.constant 96 : index
        %get3A_390 = tpu.vector_load %arg9[%get3A_387, %get3A_388, %get3A_389] {strides = array<i32>} : memref<3x80x128xf32, #tpu.memory_space<vmem>>, vector<1x1x16xf32>,
        %get3A_391 = vector.shape_cast %get3A_390 : vector<1x1x16xf32> to vector<16xf32>
        %add3A_392 = arith.addf %get3A_386, %get3A_391 : vector<16xf32>
        %swap3A_393 = arith.index_cast %and3A_98 : i32 to index
        %swap3A_394 = arith.index_cast %add3A_309 : i32 to index
        %swap3A_395 = arith.constant 32 : index
        %swap3A_396 = tpu.vector_load %arg10[%swap3A_393, %swap3A_394, %swap3A_395] {strides = array<i32>} : memref<2x40x128xf32, #tpu.memory_space<vmem>>, vector<1x1x16xf32>,
        %swap3A_397 = vector.shape_cast %swap3A_396 : vector<1x1x16xf32> to vector<16xf32>
        %swap3A_398 = vector.shape_cast %add3A_392 : vector<16xf32> to vector<1x1x16xf32>
        tpu.vector_store %arg10[%swap3A_393, %swap3A_394, %swap3A_395], %swap3A_398 {strides = array<i32>} : memref<2x40x128xf32, #tpu.memory_space<vmem>>, vector<1x1x16xf32>,
        %get3A_399 = arith.index_cast %rem3A_97 : i32 to index
        %get3A_400 = arith.index_cast %add3A_313 : i32 to index
        %get3A_401 = arith.constant 32 : index
        %get3A_402 = tpu.vector_load %arg8[%get3A_399, %get3A_400, %get3A_401] {strides = array<i32>} : memref<3x80x128xf32, #tpu.memory_space<vmem>>, vector<1x1x16xf32>,
        %get3A_403 = vector.shape_cast %get3A_402 : vector<1x1x16xf32> to vector<16xf32>
        %get3A_404 = arith.index_cast %rem3A_97 : i32 to index
        %get3A_405 = arith.index_cast %add3A_313 : i32 to index
        %get3A_406 = arith.constant 96 : index
        %get3A_407 = tpu.vector_load %arg9[%get3A_404, %get3A_405, %get3A_406] {strides = array<i32>} : memref<3x80x128xf32, #tpu.memory_space<vmem>>, vector<1x1x16xf32>,
        %get3A_408 = vector.shape_cast %get3A_407 : vector<1x1x16xf32> to vector<16xf32>
        %add3A_409 = arith.addf %get3A_403, %get3A_408 : vector<16xf32>
        %swap3A_410 = arith.index_cast %and3A_98 : i32 to index
        %swap3A_411 = arith.index_cast %add3A_309 : i32 to index
        %swap3A_412 = arith.constant 96 : index
        %swap3A_413 = tpu.vector_load %arg10[%swap3A_410, %swap3A_411, %swap3A_412] {strides = array<i32>} : memref<2x40x128xf32, #tpu.memory_space<vmem>>, vector<1x1x16xf32>,
        %swap3A_414 = vector.shape_cast %swap3A_413 : vector<1x1x16xf32> to vector<16xf32>
        %swap3A_415 = vector.shape_cast %add3A_409 : vector<16xf32> to vector<1x1x16xf32>
        tpu.vector_store %arg10[%swap3A_410, %swap3A_411, %swap3A_412], %swap3A_415 {strides = array<i32>} : memref<2x40x128xf32, #tpu.memory_space<vmem>>, vector<1x1x16xf32>,
        %get3A_416 = arith.index_cast %rem3A_97 : i32 to index
        %get3A_417 = arith.index_cast %mul3A_311 : i32 to index
        %get3A_418 = arith.constant 48 : index
        %get3A_419 = tpu.vector_load %arg8[%get3A_416, %get3A_417, %get3A_418] {strides = array<i32>} : memref<3x80x128xf32, #tpu.memory_space<vmem>>, vector<1x1x16xf32>,
        %get3A_420 = vector.shape_cast %get3A_419 : vector<1x1x16xf32> to vector<16xf32>
        %get3A_421 = arith.index_cast %rem3A_97 : i32 to index
        %get3A_422 = arith.index_cast %mul3A_311 : i32 to index
        %get3A_423 = arith.constant 112 : index
        %get3A_424 = tpu.vector_load %arg9[%get3A_421, %get3A_422, %get3A_423] {strides = array<i32>} : memref<3x80x128xf32, #tpu.memory_space<vmem>>, vector<1x1x16xf32>,
        %get3A_425 = vector.shape_cast %get3A_424 : vector<1x1x16xf32> to vector<16xf32>
        %add3A_426 = arith.addf %get3A_420, %get3A_425 : vector<16xf32>
        %swap3A_427 = arith.index_cast %and3A_98 : i32 to index
        %swap3A_428 = arith.index_cast %add3A_309 : i32 to index
        %swap3A_429 = arith.constant 48 : index
        %swap3A_430 = tpu.vector_load %arg10[%swap3A_427, %swap3A_428, %swap3A_429] {strides = array<i32>} : memref<2x40x128xf32, #tpu.memory_space<vmem>>, vector<1x1x16xf32>,
        %swap3A_431 = vector.shape_cast %swap3A_430 : vector<1x1x16xf32> to vector<16xf32>
        %swap3A_432 = vector.shape_cast %add3A_426 : vector<16xf32> to vector<1x1x16xf32>
        tpu.vector_store %arg10[%swap3A_427, %swap3A_428, %swap3A_429], %swap3A_432 {strides = array<i32>} : memref<2x40x128xf32, #tpu.memory_space<vmem>>, vector<1x1x16xf32>,
        %get3A_433 = arith.index_cast %rem3A_97 : i32 to index
        %get3A_434 = arith.index_cast %add3A_313 : i32 to index
        %get3A_435 = arith.constant 48 : index
        %get3A_436 = tpu.vector_load %arg8[%get3A_433, %get3A_434, %get3A_435] {strides = array<i32>} : memref<3x80x128xf32, #tpu.memory_space<vmem>>, vector<1x1x16xf32>,
        %get3A_437 = vector.shape_cast %get3A_436 : vector<1x1x16xf32> to vector<16xf32>
        %get3A_438 = arith.index_cast %rem3A_97 : i32 to index
        %get3A_439 = arith.index_cast %add3A_313 : i32 to index
        %get3A_440 = arith.constant 112 : index
        %get3A_441 = tpu.vector_load %arg9[%get3A_438, %get3A_439, %get3A_440] {strides = array<i32>} : memref<3x80x128xf32, #tpu.memory_space<vmem>>, vector<1x1x16xf32>,
        %get3A_442 = vector.shape_cast %get3A_441 : vector<1x1x16xf32> to vector<16xf32>
        %add3A_443 = arith.addf %get3A_437, %get3A_442 : vector<16xf32>
        %swap3A_444 = arith.index_cast %and3A_98 : i32 to index
        %swap3A_445 = arith.index_cast %add3A_309 : i32 to index
        %swap3A_446 = arith.constant 112 : index
        %swap3A_447 = tpu.vector_load %arg10[%swap3A_444, %swap3A_445, %swap3A_446] {strides = array<i32>} : memref<2x40x128xf32, #tpu.memory_space<vmem>>, vector<1x1x16xf32>,
        %swap3A_448 = vector.shape_cast %swap3A_447 : vector<1x1x16xf32> to vector<16xf32>
        %swap3A_449 = vector.shape_cast %add3A_443 : vector<16xf32> to vector<1x1x16xf32>
        tpu.vector_store %arg10[%swap3A_444, %swap3A_445, %swap3A_446], %swap3A_449 {strides = array<i32>} : memref<2x40x128xf32, #tpu.memory_space<vmem>>, vector<1x1x16xf32>,
        %mul3A_450 = arith.constant 4 : i32
        %mul3A_451 = arith.muli %mul3A_450, %scan3A_163 : i32
        %add3A_452 = arith.constant 2 : i32
        %add3A_453 = arith.addi %mul3A_451, %add3A_452 : i32
        %mul3A_454 = arith.constant 2 : i32
        %mul3A_455 = arith.muli %mul3A_454, %add3A_453 : i32
        %add3A_456 = arith.constant 1 : i32
        %add3A_457 = arith.addi %mul3A_455, %add3A_456 : i32
        %get3A_458 = arith.index_cast %rem3A_97 : i32 to index
        %get3A_459 = arith.index_cast %mul3A_455 : i32 to index
        %get3A_460 = arith.constant 0 : index
        %get3A_461 = tpu.vector_load %arg8[%get3A_458, %get3A_459, %get3A_460] {strides = array<i32>} : memref<3x80x128xf32, #tpu.memory_space<vmem>>, vector<1x1x16xf32>,
        %get3A_462 = vector.shape_cast %get3A_461 : vector<1x1x16xf32> to vector<16xf32>
        %get3A_463 = arith.index_cast %rem3A_97 : i32 to index
        %get3A_464 = arith.index_cast %mul3A_455 : i32 to index
        %get3A_465 = arith.constant 64 : index
        %get3A_466 = tpu.vector_load %arg9[%get3A_463, %get3A_464, %get3A_465] {strides = array<i32>} : memref<3x80x128xf32, #tpu.memory_space<vmem>>, vector<1x1x16xf32>,
        %get3A_467 = vector.shape_cast %get3A_466 : vector<1x1x16xf32> to vector<16xf32>
        %add3A_468 = arith.addf %get3A_462, %get3A_467 : vector<16xf32>
        %swap3A_469 = arith.index_cast %and3A_98 : i32 to index
        %swap3A_470 = arith.index_cast %add3A_453 : i32 to index
        %swap3A_471 = arith.constant 0 : index
        %swap3A_472 = tpu.vector_load %arg10[%swap3A_469, %swap3A_470, %swap3A_471] {strides = array<i32>} : memref<2x40x128xf32, #tpu.memory_space<vmem>>, vector<1x1x16xf32>,
        %swap3A_473 = vector.shape_cast %swap3A_472 : vector<1x1x16xf32> to vector<16xf32>
        %swap3A_474 = vector.shape_cast %add3A_468 : vector<16xf32> to vector<1x1x16xf32>
        tpu.vector_store %arg10[%swap3A_469, %swap3A_470, %swap3A_471], %swap3A_474 {strides = array<i32>} : memref<2x40x128xf32, #tpu.memory_space<vmem>>, vector<1x1x16xf32>,
        %get3A_475 = arith.index_cast %rem3A_97 : i32 to index
        %get3A_476 = arith.index_cast %add3A_457 : i32 to index
        %get3A_477 = arith.constant 0 : index
        %get3A_478 = tpu.vector_load %arg8[%get3A_475, %get3A_476, %get3A_477] {strides = array<i32>} : memref<3x80x128xf32, #tpu.memory_space<vmem>>, vector<1x1x16xf32>,
        %get3A_479 = vector.shape_cast %get3A_478 : vector<1x1x16xf32> to vector<16xf32>
        %get3A_480 = arith.index_cast %rem3A_97 : i32 to index
        %get3A_481 = arith.index_cast %add3A_457 : i32 to index
        %get3A_482 = arith.constant 64 : index
        %get3A_483 = tpu.vector_load %arg9[%get3A_480, %get3A_481, %get3A_482] {strides = array<i32>} : memref<3x80x128xf32, #tpu.memory_space<vmem>>, vector<1x1x16xf32>,
        %get3A_484 = vector.shape_cast %get3A_483 : vector<1x1x16xf32> to vector<16xf32>
        %add3A_485 = arith.addf %get3A_479, %get3A_484 : vector<16xf32>
        %swap3A_486 = arith.index_cast %and3A_98 : i32 to index
        %swap3A_487 = arith.index_cast %add3A_453 : i32 to index
        %swap3A_488 = arith.constant 64 : index
        %swap3A_489 = tpu.vector_load %arg10[%swap3A_486, %swap3A_487, %swap3A_488] {strides = array<i32>} : memref<2x40x128xf32, #tpu.memory_space<vmem>>, vector<1x1x16xf32>,
        %swap3A_490 = vector.shape_cast %swap3A_489 : vector<1x1x16xf32> to vector<16xf32>
        %swap3A_491 = vector.shape_cast %add3A_485 : vector<16xf32> to vector<1x1x16xf32>
        tpu.vector_store %arg10[%swap3A_486, %swap3A_487, %swap3A_488], %swap3A_491 {strides = array<i32>} : memref<2x40x128xf32, #tpu.memory_space<vmem>>, vector<1x1x16xf32>,
        %get3A_492 = arith.index_cast %rem3A_97 : i32 to index
        %get3A_493 = arith.index_cast %mul3A_455 : i32 to index
        %get3A_494 = arith.constant 16 : index
        %get3A_495 = tpu.vector_load %arg8[%get3A_492, %get3A_493, %get3A_494] {strides = array<i32>} : memref<3x80x128xf32, #tpu.memory_space<vmem>>, vector<1x1x16xf32>,
        %get3A_496 = vector.shape_cast %get3A_495 : vector<1x1x16xf32> to vector<16xf32>
        %get3A_497 = arith.index_cast %rem3A_97 : i32 to index
        %get3A_498 = arith.index_cast %mul3A_455 : i32 to index
        %get3A_499 = arith.constant 80 : index
        %get3A_500 = tpu.vector_load %arg9[%get3A_497, %get3A_498, %get3A_499] {strides = array<i32>} : memref<3x80x128xf32, #tpu.memory_space<vmem>>, vector<1x1x16xf32>,
        %get3A_501 = vector.shape_cast %get3A_500 : vector<1x1x16xf32> to vector<16xf32>
        %add3A_502 = arith.addf %get3A_496, %get3A_501 : vector<16xf32>
        %swap3A_503 = arith.index_cast %and3A_98 : i32 to index
        %swap3A_504 = arith.index_cast %add3A_453 : i32 to index
        %swap3A_505 = arith.constant 16 : index
        %swap3A_506 = tpu.vector_load %arg10[%swap3A_503, %swap3A_504, %swap3A_505] {strides = array<i32>} : memref<2x40x128xf32, #tpu.memory_space<vmem>>, vector<1x1x16xf32>,
        %swap3A_507 = vector.shape_cast %swap3A_506 : vector<1x1x16xf32> to vector<16xf32>
        %swap3A_508 = vector.shape_cast %add3A_502 : vector<16xf32> to vector<1x1x16xf32>
        tpu.vector_store %arg10[%swap3A_503, %swap3A_504, %swap3A_505], %swap3A_508 {strides = array<i32>} : memref<2x40x128xf32, #tpu.memory_space<vmem>>, vector<1x1x16xf32>,
        %get3A_509 = arith.index_cast %rem3A_97 : i32 to index
        %get3A_510 = arith.index_cast %add3A_457 : i32 to index
        %get3A_511 = arith.constant 16 : index
        %get3A_512 = tpu.vector_load %arg8[%get3A_509, %get3A_510, %get3A_511] {strides = array<i32>} : memref<3x80x128xf32, #tpu.memory_space<vmem>>, vector<1x1x16xf32>,
        %get3A_513 = vector.shape_cast %get3A_512 : vector<1x1x16xf32> to vector<16xf32>
        %get3A_514 = arith.index_cast %rem3A_97 : i32 to index
        %get3A_515 = arith.index_cast %add3A_457 : i32 to index
        %get3A_516 = arith.constant 80 : index
        %get3A_517 = tpu.vector_load %arg9[%get3A_514, %get3A_515, %get3A_516] {strides = array<i32>} : memref<3x80x128xf32, #tpu.memory_space<vmem>>, vector<1x1x16xf32>,
        %get3A_518 = vector.shape_cast %get3A_517 : vector<1x1x16xf32> to vector<16xf32>
        %add3A_519 = arith.addf %get3A_513, %get3A_518 : vector<16xf32>
        %swap3A_520 = arith.index_cast %and3A_98 : i32 to index
        %swap3A_521 = arith.index_cast %add3A_453 : i32 to index
        %swap3A_522 = arith.constant 80 : index
        %swap3A_523 = tpu.vector_load %arg10[%swap3A_520, %swap3A_521, %swap3A_522] {strides = array<i32>} : memref<2x40x128xf32, #tpu.memory_space<vmem>>, vector<1x1x16xf32>,
        %swap3A_524 = vector.shape_cast %swap3A_523 : vector<1x1x16xf32> to vector<16xf32>
        %swap3A_525 = vector.shape_cast %add3A_519 : vector<16xf32> to vector<1x1x16xf32>
        tpu.vector_store %arg10[%swap3A_520, %swap3A_521, %swap3A_522], %swap3A_525 {strides = array<i32>} : memref<2x40x128xf32, #tpu.memory_space<vmem>>, vector<1x1x16xf32>,
        %get3A_526 = arith.index_cast %rem3A_97 : i32 to index
        %get3A_527 = arith.index_cast %mul3A_455 : i32 to index
        %get3A_528 = arith.constant 32 : index
        %get3A_529 = tpu.vector_load %arg8[%get3A_526, %get3A_527, %get3A_528] {strides = array<i32>} : memref<3x80x128xf32, #tpu.memory_space<vmem>>, vector<1x1x16xf32>,
        %get3A_530 = vector.shape_cast %get3A_529 : vector<1x1x16xf32> to vector<16xf32>
        %get3A_531 = arith.index_cast %rem3A_97 : i32 to index
        %get3A_532 = arith.index_cast %mul3A_455 : i32 to index
        %get3A_533 = arith.constant 96 : index
        %get3A_534 = tpu.vector_load %arg9[%get3A_531, %get3A_532, %get3A_533] {strides = array<i32>} : memref<3x80x128xf32, #tpu.memory_space<vmem>>, vector<1x1x16xf32>,
        %get3A_535 = vector.shape_cast %get3A_534 : vector<1x1x16xf32> to vector<16xf32>
        %add3A_536 = arith.addf %get3A_530, %get3A_535 : vector<16xf32>
        %swap3A_537 = arith.index_cast %and3A_98 : i32 to index
        %swap3A_538 = arith.index_cast %add3A_453 : i32 to index
        %swap3A_539 = arith.constant 32 : index
        %swap3A_540 = tpu.vector_load %arg10[%swap3A_537, %swap3A_538, %swap3A_539] {strides = array<i32>} : memref<2x40x128xf32, #tpu.memory_space<vmem>>, vector<1x1x16xf32>,
        %swap3A_541 = vector.shape_cast %swap3A_540 : vector<1x1x16xf32> to vector<16xf32>
        %swap3A_542 = vector.shape_cast %add3A_536 : vector<16xf32> to vector<1x1x16xf32>
        tpu.vector_store %arg10[%swap3A_537, %swap3A_538, %swap3A_539], %swap3A_542 {strides = array<i32>} : memref<2x40x128xf32, #tpu.memory_space<vmem>>, vector<1x1x16xf32>,
        %get3A_543 = arith.index_cast %rem3A_97 : i32 to index
        %get3A_544 = arith.index_cast %add3A_457 : i32 to index
        %get3A_545 = arith.constant 32 : index
        %get3A_546 = tpu.vector_load %arg8[%get3A_543, %get3A_544, %get3A_545] {strides = array<i32>} : memref<3x80x128xf32, #tpu.memory_space<vmem>>, vector<1x1x16xf32>,
        %get3A_547 = vector.shape_cast %get3A_546 : vector<1x1x16xf32> to vector<16xf32>
        %get3A_548 = arith.index_cast %rem3A_97 : i32 to index
        %get3A_549 = arith.index_cast %add3A_457 : i32 to index
        %get3A_550 = arith.constant 96 : index
        %get3A_551 = tpu.vector_load %arg9[%get3A_548, %get3A_549, %get3A_550] {strides = array<i32>} : memref<3x80x128xf32, #tpu.memory_space<vmem>>, vector<1x1x16xf32>,
        %get3A_552 = vector.shape_cast %get3A_551 : vector<1x1x16xf32> to vector<16xf32>
        %add3A_553 = arith.addf %get3A_547, %get3A_552 : vector<16xf32>
        %swap3A_554 = arith.index_cast %and3A_98 : i32 to index
        %swap3A_555 = arith.index_cast %add3A_453 : i32 to index
        %swap3A_556 = arith.constant 96 : index
        %swap3A_557 = tpu.vector_load %arg10[%swap3A_554, %swap3A_555, %swap3A_556] {strides = array<i32>} : memref<2x40x128xf32, #tpu.memory_space<vmem>>, vector<1x1x16xf32>,
        %swap3A_558 = vector.shape_cast %swap3A_557 : vector<1x1x16xf32> to vector<16xf32>
        %swap3A_559 = vector.shape_cast %add3A_553 : vector<16xf32> to vector<1x1x16xf32>
        tpu.vector_store %arg10[%swap3A_554, %swap3A_555, %swap3A_556], %swap3A_559 {strides = array<i32>} : memref<2x40x128xf32, #tpu.memory_space<vmem>>, vector<1x1x16xf32>,
        %get3A_560 = arith.index_cast %rem3A_97 : i32 to index
        %get3A_561 = arith.index_cast %mul3A_455 : i32 to index
        %get3A_562 = arith.constant 48 : index
        %get3A_563 = tpu.vector_load %arg8[%get3A_560, %get3A_561, %get3A_562] {strides = array<i32>} : memref<3x80x128xf32, #tpu.memory_space<vmem>>, vector<1x1x16xf32>,
        %get3A_564 = vector.shape_cast %get3A_563 : vector<1x1x16xf32> to vector<16xf32>
        %get3A_565 = arith.index_cast %rem3A_97 : i32 to index
        %get3A_566 = arith.index_cast %mul3A_455 : i32 to index
        %get3A_567 = arith.constant 112 : index
        %get3A_568 = tpu.vector_load %arg9[%get3A_565, %get3A_566, %get3A_567] {strides = array<i32>} : memref<3x80x128xf32, #tpu.memory_space<vmem>>, vector<1x1x16xf32>,
        %get3A_569 = vector.shape_cast %get3A_568 : vector<1x1x16xf32> to vector<16xf32>
        %add3A_570 = arith.addf %get3A_564, %get3A_569 : vector<16xf32>
        %swap3A_571 = arith.index_cast %and3A_98 : i32 to index
        %swap3A_572 = arith.index_cast %add3A_453 : i32 to index
        %swap3A_573 = arith.constant 48 : index
        %swap3A_574 = tpu.vector_load %arg10[%swap3A_571, %swap3A_572, %swap3A_573] {strides = array<i32>} : memref<2x40x128xf32, #tpu.memory_space<vmem>>, vector<1x1x16xf32>,
        %swap3A_575 = vector.shape_cast %swap3A_574 : vector<1x1x16xf32> to vector<16xf32>
        %swap3A_576 = vector.shape_cast %add3A_570 : vector<16xf32> to vector<1x1x16xf32>
        tpu.vector_store %arg10[%swap3A_571, %swap3A_572, %swap3A_573], %swap3A_576 {strides = array<i32>} : memref<2x40x128xf32, #tpu.memory_space<vmem>>, vector<1x1x16xf32>,
        %get3A_577 = arith.index_cast %rem3A_97 : i32 to index
        %get3A_578 = arith.index_cast %add3A_457 : i32 to index
        %get3A_579 = arith.constant 48 : index
        %get3A_580 = tpu.vector_load %arg8[%get3A_577, %get3A_578, %get3A_579] {strides = array<i32>} : memref<3x80x128xf32, #tpu.memory_space<vmem>>, vector<1x1x16xf32>,
        %get3A_581 = vector.shape_cast %get3A_580 : vector<1x1x16xf32> to vector<16xf32>
        %get3A_582 = arith.index_cast %rem3A_97 : i32 to index
        %get3A_583 = arith.index_cast %add3A_457 : i32 to index
        %get3A_584 = arith.constant 112 : index
        %get3A_585 = tpu.vector_load %arg9[%get3A_582, %get3A_583, %get3A_584] {strides = array<i32>} : memref<3x80x128xf32, #tpu.memory_space<vmem>>, vector<1x1x16xf32>,
        %get3A_586 = vector.shape_cast %get3A_585 : vector<1x1x16xf32> to vector<16xf32>
        %add3A_587 = arith.addf %get3A_581, %get3A_586 : vector<16xf32>
        %swap3A_588 = arith.index_cast %and3A_98 : i32 to index
        %swap3A_589 = arith.index_cast %add3A_453 : i32 to index
        %swap3A_590 = arith.constant 112 : index
        %swap3A_591 = tpu.vector_load %arg10[%swap3A_588, %swap3A_589, %swap3A_590] {strides = array<i32>} : memref<2x40x128xf32, #tpu.memory_space<vmem>>, vector<1x1x16xf32>,
        %swap3A_592 = vector.shape_cast %swap3A_591 : vector<1x1x16xf32> to vector<16xf32>
        %swap3A_593 = vector.shape_cast %add3A_587 : vector<16xf32> to vector<1x1x16xf32>
        tpu.vector_store %arg10[%swap3A_588, %swap3A_589, %swap3A_590], %swap3A_593 {strides = array<i32>} : memref<2x40x128xf32, #tpu.memory_space<vmem>>, vector<1x1x16xf32>,
        %mul3A_594 = arith.constant 4 : i32
        %mul3A_595 = arith.muli %mul3A_594, %scan3A_163 : i32
        %add3A_596 = arith.constant 3 : i32
        %add3A_597 = arith.addi %mul3A_595, %add3A_596 : i32
        %mul3A_598 = arith.constant 2 : i32
        %mul3A_599 = arith.muli %mul3A_598, %add3A_597 : i32
        %add3A_600 = arith.constant 1 : i32
        %add3A_601 = arith.addi %mul3A_599, %add3A_600 : i32
        %get3A_602 = arith.index_cast %rem3A_97 : i32 to index
        %get3A_603 = arith.index_cast %mul3A_599 : i32 to index
        %get3A_604 = arith.constant 0 : index
        %get3A_605 = tpu.vector_load %arg8[%get3A_602, %get3A_603, %get3A_604] {strides = array<i32>} : memref<3x80x128xf32, #tpu.memory_space<vmem>>, vector<1x1x16xf32>,
        %get3A_606 = vector.shape_cast %get3A_605 : vector<1x1x16xf32> to vector<16xf32>
        %get3A_607 = arith.index_cast %rem3A_97 : i32 to index
        %get3A_608 = arith.index_cast %mul3A_599 : i32 to index
        %get3A_609 = arith.constant 64 : index
        %get3A_610 = tpu.vector_load %arg9[%get3A_607, %get3A_608, %get3A_609] {strides = array<i32>} : memref<3x80x128xf32, #tpu.memory_space<vmem>>, vector<1x1x16xf32>,
        %get3A_611 = vector.shape_cast %get3A_610 : vector<1x1x16xf32> to vector<16xf32>
        %add3A_612 = arith.addf %get3A_606, %get3A_611 : vector<16xf32>
        %swap3A_613 = arith.index_cast %and3A_98 : i32 to index
        %swap3A_614 = arith.index_cast %add3A_597 : i32 to index
        %swap3A_615 = arith.constant 0 : index
        %swap3A_616 = tpu.vector_load %arg10[%swap3A_613, %swap3A_614, %swap3A_615] {strides = array<i32>} : memref<2x40x128xf32, #tpu.memory_space<vmem>>, vector<1x1x16xf32>,
        %swap3A_617 = vector.shape_cast %swap3A_616 : vector<1x1x16xf32> to vector<16xf32>
        %swap3A_618 = vector.shape_cast %add3A_612 : vector<16xf32> to vector<1x1x16xf32>
        tpu.vector_store %arg10[%swap3A_613, %swap3A_614, %swap3A_615], %swap3A_618 {strides = array<i32>} : memref<2x40x128xf32, #tpu.memory_space<vmem>>, vector<1x1x16xf32>,
        %get3A_619 = arith.index_cast %rem3A_97 : i32 to index
        %get3A_620 = arith.index_cast %add3A_601 : i32 to index
        %get3A_621 = arith.constant 0 : index
        %get3A_622 = tpu.vector_load %arg8[%get3A_619, %get3A_620, %get3A_621] {strides = array<i32>} : memref<3x80x128xf32, #tpu.memory_space<vmem>>, vector<1x1x16xf32>,
        %get3A_623 = vector.shape_cast %get3A_622 : vector<1x1x16xf32> to vector<16xf32>
        %get3A_624 = arith.index_cast %rem3A_97 : i32 to index
        %get3A_625 = arith.index_cast %add3A_601 : i32 to index
        %get3A_626 = arith.constant 64 : index
        %get3A_627 = tpu.vector_load %arg9[%get3A_624, %get3A_625, %get3A_626] {strides = array<i32>} : memref<3x80x128xf32, #tpu.memory_space<vmem>>, vector<1x1x16xf32>,
        %get3A_628 = vector.shape_cast %get3A_627 : vector<1x1x16xf32> to vector<16xf32>
        %add3A_629 = arith.addf %get3A_623, %get3A_628 : vector<16xf32>
        %swap3A_630 = arith.index_cast %and3A_98 : i32 to index
        %swap3A_631 = arith.index_cast %add3A_597 : i32 to index
        %swap3A_632 = arith.constant 64 : index
        %swap3A_633 = tpu.vector_load %arg10[%swap3A_630, %swap3A_631, %swap3A_632] {strides = array<i32>} : memref<2x40x128xf32, #tpu.memory_space<vmem>>, vector<1x1x16xf32>,
        %swap3A_634 = vector.shape_cast %swap3A_633 : vector<1x1x16xf32> to vector<16xf32>
        %swap3A_635 = vector.shape_cast %add3A_629 : vector<16xf32> to vector<1x1x16xf32>
        tpu.vector_store %arg10[%swap3A_630, %swap3A_631, %swap3A_632], %swap3A_635 {strides = array<i32>} : memref<2x40x128xf32, #tpu.memory_space<vmem>>, vector<1x1x16xf32>,
        %get3A_636 = arith.index_cast %rem3A_97 : i32 to index
        %get3A_637 = arith.index_cast %mul3A_599 : i32 to index
        %get3A_638 = arith.constant 16 : index
        %get3A_639 = tpu.vector_load %arg8[%get3A_636, %get3A_637, %get3A_638] {strides = array<i32>} : memref<3x80x128xf32, #tpu.memory_space<vmem>>, vector<1x1x16xf32>,
        %get3A_640 = vector.shape_cast %get3A_639 : vector<1x1x16xf32> to vector<16xf32>
        %get3A_641 = arith.index_cast %rem3A_97 : i32 to index
        %get3A_642 = arith.index_cast %mul3A_599 : i32 to index
        %get3A_643 = arith.constant 80 : index
        %get3A_644 = tpu.vector_load %arg9[%get3A_641, %get3A_642, %get3A_643] {strides = array<i32>} : memref<3x80x128xf32, #tpu.memory_space<vmem>>, vector<1x1x16xf32>,
        %get3A_645 = vector.shape_cast %get3A_644 : vector<1x1x16xf32> to vector<16xf32>
        %add3A_646 = arith.addf %get3A_640, %get3A_645 : vector<16xf32>
        %swap3A_647 = arith.index_cast %and3A_98 : i32 to index
        %swap3A_648 = arith.index_cast %add3A_597 : i32 to index
        %swap3A_649 = arith.constant 16 : index
        %swap3A_650 = tpu.vector_load %arg10[%swap3A_647, %swap3A_648, %swap3A_649] {strides = array<i32>} : memref<2x40x128xf32, #tpu.memory_space<vmem>>, vector<1x1x16xf32>,
        %swap3A_651 = vector.shape_cast %swap3A_650 : vector<1x1x16xf32> to vector<16xf32>
        %swap3A_652 = vector.shape_cast %add3A_646 : vector<16xf32> to vector<1x1x16xf32>
        tpu.vector_store %arg10[%swap3A_647, %swap3A_648, %swap3A_649], %swap3A_652 {strides = array<i32>} : memref<2x40x128xf32, #tpu.memory_space<vmem>>, vector<1x1x16xf32>,
        %get3A_653 = arith.index_cast %rem3A_97 : i32 to index
        %get3A_654 = arith.index_cast %add3A_601 : i32 to index
        %get3A_655 = arith.constant 16 : index
        %get3A_656 = tpu.vector_load %arg8[%get3A_653, %get3A_654, %get3A_655] {strides = array<i32>} : memref<3x80x128xf32, #tpu.memory_space<vmem>>, vector<1x1x16xf32>,
        %get3A_657 = vector.shape_cast %get3A_656 : vector<1x1x16xf32> to vector<16xf32>
        %get3A_658 = arith.index_cast %rem3A_97 : i32 to index
        %get3A_659 = arith.index_cast %add3A_601 : i32 to index
        %get3A_660 = arith.constant 80 : index
        %get3A_661 = tpu.vector_load %arg9[%get3A_658, %get3A_659, %get3A_660] {strides = array<i32>} : memref<3x80x128xf32, #tpu.memory_space<vmem>>, vector<1x1x16xf32>,
        %get3A_662 = vector.shape_cast %get3A_661 : vector<1x1x16xf32> to vector<16xf32>
        %add3A_663 = arith.addf %get3A_657, %get3A_662 : vector<16xf32>
        %swap3A_664 = arith.index_cast %and3A_98 : i32 to index
        %swap3A_665 = arith.index_cast %add3A_597 : i32 to index
        %swap3A_666 = arith.constant 80 : index
        %swap3A_667 = tpu.vector_load %arg10[%swap3A_664, %swap3A_665, %swap3A_666] {strides = array<i32>} : memref<2x40x128xf32, #tpu.memory_space<vmem>>, vector<1x1x16xf32>,
        %swap3A_668 = vector.shape_cast %swap3A_667 : vector<1x1x16xf32> to vector<16xf32>
        %swap3A_669 = vector.shape_cast %add3A_663 : vector<16xf32> to vector<1x1x16xf32>
        tpu.vector_store %arg10[%swap3A_664, %swap3A_665, %swap3A_666], %swap3A_669 {strides = array<i32>} : memref<2x40x128xf32, #tpu.memory_space<vmem>>, vector<1x1x16xf32>,
        %get3A_670 = arith.index_cast %rem3A_97 : i32 to index
        %get3A_671 = arith.index_cast %mul3A_599 : i32 to index
        %get3A_672 = arith.constant 32 : index
        %get3A_673 = tpu.vector_load %arg8[%get3A_670, %get3A_671, %get3A_672] {strides = array<i32>} : memref<3x80x128xf32, #tpu.memory_space<vmem>>, vector<1x1x16xf32>,
        %get3A_674 = vector.shape_cast %get3A_673 : vector<1x1x16xf32> to vector<16xf32>
        %get3A_675 = arith.index_cast %rem3A_97 : i32 to index
        %get3A_676 = arith.index_cast %mul3A_599 : i32 to index
        %get3A_677 = arith.constant 96 : index
        %get3A_678 = tpu.vector_load %arg9[%get3A_675, %get3A_676, %get3A_677] {strides = array<i32>} : memref<3x80x128xf32, #tpu.memory_space<vmem>>, vector<1x1x16xf32>,
        %get3A_679 = vector.shape_cast %get3A_678 : vector<1x1x16xf32> to vector<16xf32>
        %add3A_680 = arith.addf %get3A_674, %get3A_679 : vector<16xf32>
        %swap3A_681 = arith.index_cast %and3A_98 : i32 to index
        %swap3A_682 = arith.index_cast %add3A_597 : i32 to index
        %swap3A_683 = arith.constant 32 : index
        %swap3A_684 = tpu.vector_load %arg10[%swap3A_681, %swap3A_682, %swap3A_683] {strides = array<i32>} : memref<2x40x128xf32, #tpu.memory_space<vmem>>, vector<1x1x16xf32>,
        %swap3A_685 = vector.shape_cast %swap3A_684 : vector<1x1x16xf32> to vector<16xf32>
        %swap3A_686 = vector.shape_cast %add3A_680 : vector<16xf32> to vector<1x1x16xf32>
        tpu.vector_store %arg10[%swap3A_681, %swap3A_682, %swap3A_683], %swap3A_686 {strides = array<i32>} : memref<2x40x128xf32, #tpu.memory_space<vmem>>, vector<1x1x16xf32>,
        %get3A_687 = arith.index_cast %rem3A_97 : i32 to index
        %get3A_688 = arith.index_cast %add3A_601 : i32 to index
        %get3A_689 = arith.constant 32 : index
        %get3A_690 = tpu.vector_load %arg8[%get3A_687, %get3A_688, %get3A_689] {strides = array<i32>} : memref<3x80x128xf32, #tpu.memory_space<vmem>>, vector<1x1x16xf32>,
        %get3A_691 = vector.shape_cast %get3A_690 : vector<1x1x16xf32> to vector<16xf32>
        %get3A_692 = arith.index_cast %rem3A_97 : i32 to index
        %get3A_693 = arith.index_cast %add3A_601 : i32 to index
        %get3A_694 = arith.constant 96 : index
        %get3A_695 = tpu.vector_load %arg9[%get3A_692, %get3A_693, %get3A_694] {strides = array<i32>} : memref<3x80x128xf32, #tpu.memory_space<vmem>>, vector<1x1x16xf32>,
        %get3A_696 = vector.shape_cast %get3A_695 : vector<1x1x16xf32> to vector<16xf32>
        %add3A_697 = arith.addf %get3A_691, %get3A_696 : vector<16xf32>
        %swap3A_698 = arith.index_cast %and3A_98 : i32 to index
        %swap3A_699 = arith.index_cast %add3A_597 : i32 to index
        %swap3A_700 = arith.constant 96 : index
        %swap3A_701 = tpu.vector_load %arg10[%swap3A_698, %swap3A_699, %swap3A_700] {strides = array<i32>} : memref<2x40x128xf32, #tpu.memory_space<vmem>>, vector<1x1x16xf32>,
        %swap3A_702 = vector.shape_cast %swap3A_701 : vector<1x1x16xf32> to vector<16xf32>
        %swap3A_703 = vector.shape_cast %add3A_697 : vector<16xf32> to vector<1x1x16xf32>
        tpu.vector_store %arg10[%swap3A_698, %swap3A_699, %swap3A_700], %swap3A_703 {strides = array<i32>} : memref<2x40x128xf32, #tpu.memory_space<vmem>>, vector<1x1x16xf32>,
        %get3A_704 = arith.index_cast %rem3A_97 : i32 to index
        %get3A_705 = arith.index_cast %mul3A_599 : i32 to index
        %get3A_706 = arith.constant 48 : index
        %get3A_707 = tpu.vector_load %arg8[%get3A_704, %get3A_705, %get3A_706] {strides = array<i32>} : memref<3x80x128xf32, #tpu.memory_space<vmem>>, vector<1x1x16xf32>,
        %get3A_708 = vector.shape_cast %get3A_707 : vector<1x1x16xf32> to vector<16xf32>
        %get3A_709 = arith.index_cast %rem3A_97 : i32 to index
        %get3A_710 = arith.index_cast %mul3A_599 : i32 to index
        %get3A_711 = arith.constant 112 : index
        %get3A_712 = tpu.vector_load %arg9[%get3A_709, %get3A_710, %get3A_711] {strides = array<i32>} : memref<3x80x128xf32, #tpu.memory_space<vmem>>, vector<1x1x16xf32>,
        %get3A_713 = vector.shape_cast %get3A_712 : vector<1x1x16xf32> to vector<16xf32>
        %add3A_714 = arith.addf %get3A_708, %get3A_713 : vector<16xf32>
        %swap3A_715 = arith.index_cast %and3A_98 : i32 to index
        %swap3A_716 = arith.index_cast %add3A_597 : i32 to index
        %swap3A_717 = arith.constant 48 : index
        %swap3A_718 = tpu.vector_load %arg10[%swap3A_715, %swap3A_716, %swap3A_717] {strides = array<i32>} : memref<2x40x128xf32, #tpu.memory_space<vmem>>, vector<1x1x16xf32>,
        %swap3A_719 = vector.shape_cast %swap3A_718 : vector<1x1x16xf32> to vector<16xf32>
        %swap3A_720 = vector.shape_cast %add3A_714 : vector<16xf32> to vector<1x1x16xf32>
        tpu.vector_store %arg10[%swap3A_715, %swap3A_716, %swap3A_717], %swap3A_720 {strides = array<i32>} : memref<2x40x128xf32, #tpu.memory_space<vmem>>, vector<1x1x16xf32>,
        %get3A_721 = arith.index_cast %rem3A_97 : i32 to index
        %get3A_722 = arith.index_cast %add3A_601 : i32 to index
        %get3A_723 = arith.constant 48 : index
        %get3A_724 = tpu.vector_load %arg8[%get3A_721, %get3A_722, %get3A_723] {strides = array<i32>} : memref<3x80x128xf32, #tpu.memory_space<vmem>>, vector<1x1x16xf32>,
        %get3A_725 = vector.shape_cast %get3A_724 : vector<1x1x16xf32> to vector<16xf32>
        %get3A_726 = arith.index_cast %rem3A_97 : i32 to index
        %get3A_727 = arith.index_cast %add3A_601 : i32 to index
        %get3A_728 = arith.constant 112 : index
        %get3A_729 = tpu.vector_load %arg9[%get3A_726, %get3A_727, %get3A_728] {strides = array<i32>} : memref<3x80x128xf32, #tpu.memory_space<vmem>>, vector<1x1x16xf32>,
        %get3A_730 = vector.shape_cast %get3A_729 : vector<1x1x16xf32> to vector<16xf32>
        %add3A_731 = arith.addf %get3A_725, %get3A_730 : vector<16xf32>
        %swap3A_732 = arith.index_cast %and3A_98 : i32 to index
        %swap3A_733 = arith.index_cast %add3A_597 : i32 to index
        %swap3A_734 = arith.constant 112 : index
        %swap3A_735 = tpu.vector_load %arg10[%swap3A_732, %swap3A_733, %swap3A_734] {strides = array<i32>} : memref<2x40x128xf32, #tpu.memory_space<vmem>>, vector<1x1x16xf32>,
        %swap3A_736 = vector.shape_cast %swap3A_735 : vector<1x1x16xf32> to vector<16xf32>
        %swap3A_737 = vector.shape_cast %add3A_731 : vector<16xf32> to vector<1x1x16xf32>
        tpu.vector_store %arg10[%swap3A_732, %swap3A_733, %swap3A_734], %swap3A_737 {strides = array<i32>} : memref<2x40x128xf32, #tpu.memory_space<vmem>>, vector<1x1x16xf32>,
      }
      %scan3A_144 = arith.constant 10 : i32
      %mul3A_145 = arith.constant 40 : i32
      %mul3A_146 = arith.muli %scan3A_96, %mul3A_145 : i32
      %add3A_147 = arith.addi %mul3A_4, %mul3A_146 : i32
      %multiple_of3A_148 = tpu.assume_multiple %add3A_147, 40 : i32
      %dma_start3A_149 = arith.constant 0 : i32
      %dma_start3A_150 = arith.constant 0 : i32
      %dma_start3A_151 = tpu.memref_slice %arg10[%and3A_98, %dma_start3A_149, %dma_start3A_150] : memref<2x40x128xf32, #tpu.memory_space<vmem>> -> memref<1x40x128xf32, #tpu.memory_space<vmem>>
      %dma_start3A_152 = tpu.memref_squeeze %dma_start3A_151 : memref<1x40x128xf32, #tpu.memory_space<vmem>> -> memref<40x128xf32, #tpu.memory_space<vmem>>
      %dma_start3A_153 = arith.constant 0 : i32
      %dma_start3A_154 = tpu.memref_slice %arg5[%multiple_of3A_148, %dma_start3A_153] : memref<160000x128xf32, #tpu.memory_space<hbm>> -> memref<40x128xf32, #tpu.memory_space<hbm>>
      %dma_start3A_155 = tpu.memref_slice %arg13[%and3A_98] : memref<2x!tpu.dma_semaphore, #tpu.memory_space<semaphore_mem>> -> memref<1x!tpu.dma_semaphore, #tpu.memory_space<semaphore_mem>>
      %dma_start3A_156 = tpu.memref_squeeze %dma_start3A_155 : memref<1x!tpu.dma_semaphore, #tpu.memory_space<semaphore_mem>> -> memref<!tpu.dma_semaphore, #tpu.memory_space<semaphore_mem>>
      %dma_start3A_157 = arith.constant 0 : i32
      %dma_start3A_158 = tpu.memref_slice %arg5[%multiple_of3A_148, %dma_start3A_157] : memref<160000x128xf32, #tpu.memory_space<hbm>> -> memref<40x128xf32, #tpu.memory_space<hbm>>
      %dma_start3A_159 = arith.constant 0 : i32
      %dma_start3A_160 = arith.constant 0 : i32
      %dma_start3A_161 = tpu.memref_slice %arg10[%and3A_98, %dma_start3A_159, %dma_start3A_160] : memref<2x40x128xf32, #tpu.memory_space<vmem>> -> memref<1x40x128xf32, #tpu.memory_space<vmem>>
      %dma_start3A_162 = tpu.memref_squeeze %dma_start3A_161 : memref<1x40x128xf32, #tpu.memory_space<vmem>> -> memref<40x128xf32, #tpu.memory_space<vmem>>
      tpu.enqueue_dma source(%dma_start3A_162 : memref<40x128xf32, #tpu.memory_space<vmem>>) target(%dma_start3A_158 : memref<40x128xf32, #tpu.memory_space<hbm>>) target_semaphore(%dma_start3A_156 : memref<!tpu.dma_semaphore, #tpu.memory_space<semaphore_mem>>)
    }
    %scan3A_60 = arith.constant 125 : i32
    %dma_wait3A = arith.constant 0 : i32
    %dma_wait3A_61 = arith.constant 0 : i32
    %dma_wait3A_62 = arith.constant 0 : i32
    %dma_wait3A_63 = arith.constant 0 : i32
    %dma_wait3A_64 = tpu.memref_slice %arg10[%dma_wait3A, %dma_wait3A_62, %dma_wait3A_63] : memref<2x40x128xf32, #tpu.memory_space<vmem>> -> memref<1x40x128xf32, #tpu.memory_space<vmem>>
    %dma_wait3A_65 = tpu.memref_squeeze %dma_wait3A_64 : memref<1x40x128xf32, #tpu.memory_space<vmem>> -> memref<40x128xf32, #tpu.memory_space<vmem>>
    %dma_wait3A_66 = arith.constant 0 : i32
    %dma_wait3A_67 = arith.constant 0 : i32
    %dma_wait3A_68 = tpu.memref_slice %arg5[%dma_wait3A_66, %dma_wait3A_67] : memref<160000x128xf32, #tpu.memory_space<hbm>> -> memref<40x128xf32, #tpu.memory_space<hbm>>
    %dma_wait3A_69 = tpu.memref_slice %arg13[%dma_wait3A_61] : memref<2x!tpu.dma_semaphore, #tpu.memory_space<semaphore_mem>> -> memref<1x!tpu.dma_semaphore, #tpu.memory_space<semaphore_mem>>
    %dma_wait3A_70 = tpu.memref_squeeze %dma_wait3A_69 : memref<1x!tpu.dma_semaphore, #tpu.memory_space<semaphore_mem>> -> memref<!tpu.dma_semaphore, #tpu.memory_space<semaphore_mem>>
    %dma_wait3A_71 = arith.constant 0 : i32
    %dma_wait3A_72 = arith.constant 0 : i32
    %dma_wait3A_73 = tpu.memref_slice %arg10[%dma_wait3A, %dma_wait3A_71, %dma_wait3A_72] : memref<2x40x128xf32, #tpu.memory_space<vmem>> -> memref<1x40x128xf32, #tpu.memory_space<vmem>>
    %dma_wait3A_74 = tpu.memref_squeeze %dma_wait3A_73 : memref<1x40x128xf32, #tpu.memory_space<vmem>> -> memref<40x128xf32, #tpu.memory_space<vmem>>
    %dma_wait3A_75 = arith.constant 0 : i32
    %dma_wait3A_76 = arith.constant 0 : i32
    %dma_wait3A_77 = tpu.memref_slice %arg5[%dma_wait3A_75, %dma_wait3A_76] : memref<160000x128xf32, #tpu.memory_space<hbm>> -> memref<40x128xf32, #tpu.memory_space<hbm>>
    tpu.wait_dma2 semaphore(%dma_wait3A_70 : memref<!tpu.dma_semaphore, #tpu.memory_space<semaphore_mem>>) src(%dma_wait3A_77 : memref<40x128xf32, #tpu.memory_space<hbm>>) dst(%dma_wait3A_74 : memref<40x128xf32, #tpu.memory_space<vmem>>)
    %dma_wait3A_78 = arith.constant 1 : i32
    %dma_wait3A_79 = arith.constant 1 : i32
    %dma_wait3A_80 = arith.constant 0 : i32
    %dma_wait3A_81 = arith.constant 0 : i32
    %dma_wait3A_82 = tpu.memref_slice %arg10[%dma_wait3A_78, %dma_wait3A_80, %dma_wait3A_81] : memref<2x40x128xf32, #tpu.memory_space<vmem>> -> memref<1x40x128xf32, #tpu.memory_space<vmem>>
    %dma_wait3A_83 = tpu.memref_squeeze %dma_wait3A_82 : memref<1x40x128xf32, #tpu.memory_space<vmem>> -> memref<40x128xf32, #tpu.memory_space<vmem>>
    %dma_wait3A_84 = arith.constant 0 : i32
    %dma_wait3A_85 = arith.constant 0 : i32
    %dma_wait3A_86 = tpu.memref_slice %arg5[%dma_wait3A_84, %dma_wait3A_85] : memref<160000x128xf32, #tpu.memory_space<hbm>> -> memref<40x128xf32, #tpu.memory_space<hbm>>
    %dma_wait3A_87 = tpu.memref_slice %arg13[%dma_wait3A_79] : memref<2x!tpu.dma_semaphore, #tpu.memory_space<semaphore_mem>> -> memref<1x!tpu.dma_semaphore, #tpu.memory_space<semaphore_mem>>
    %dma_wait3A_88 = tpu.memref_squeeze %dma_wait3A_87 : memref<1x!tpu.dma_semaphore, #tpu.memory_space<semaphore_mem>> -> memref<!tpu.dma_semaphore, #tpu.memory_space<semaphore_mem>>
    %dma_wait3A_89 = arith.constant 0 : i32
    %dma_wait3A_90 = arith.constant 0 : i32
    %dma_wait3A_91 = tpu.memref_slice %arg10[%dma_wait3A_78, %dma_wait3A_89, %dma_wait3A_90] : memref<2x40x128xf32, #tpu.memory_space<vmem>> -> memref<1x40x128xf32, #tpu.memory_space<vmem>>
    %dma_wait3A_92 = tpu.memref_squeeze %dma_wait3A_91 : memref<1x40x128xf32, #tpu.memory_space<vmem>> -> memref<40x128xf32, #tpu.memory_space<vmem>>
    %dma_wait3A_93 = arith.constant 0 : i32
    %dma_wait3A_94 = arith.constant 0 : i32
    %dma_wait3A_95 = tpu.memref_slice %arg5[%dma_wait3A_93, %dma_wait3A_94] : memref<160000x128xf32, #tpu.memory_space<hbm>> -> memref<40x128xf32, #tpu.memory_space<hbm>>
    tpu.wait_dma2 semaphore(%dma_wait3A_88 : memref<!tpu.dma_semaphore, #tpu.memory_space<semaphore_mem>>) src(%dma_wait3A_95 : memref<40x128xf32, #tpu.memory_space<hbm>>) dst(%dma_wait3A_92 : memref<40x128xf32, #tpu.memory_space<vmem>>)
    return
  }
}

module attributes {stable_mosaic.version = 14 : i64} {
  func.func @_proj_body(%arg0: memref<10000x128xf32, #tpu.memory_space<vmem>>, %arg1: memref<128x128xf32, #tpu.memory_space<vmem>>, %arg2: memref<10000x128xf32, #tpu.memory_space<vmem>>) attributes {dimension_semantics = [], scalar_prefetch = 0 : i64, scratch_operands = 0 : i64, tpu.core_type = #tpu.core_type<tc>} {
    %get3A = arith.constant 0 : index
    %get3A_0 = arith.constant 0 : index
    %get3A_1 = vector.load %arg0[%get3A, %get3A_0] : memref<10000x128xf32, #tpu.memory_space<vmem>>, vector<10000x128xf32>
    %get3A_2 = arith.constant 0 : index
    %get3A_3 = arith.constant 0 : index
    %get3A_4 = vector.load %arg1[%get3A_2, %get3A_3] : memref<128x128xf32, #tpu.memory_space<vmem>>, vector<128x128xf32>
    %dot_general3A = arith.constant dense<0.000000e+00> : vector<10000x128xf32>
    %dot_general3A_5 = tpu.matmul %get3A_1, %get3A_4, %dot_general3A {dimension_numbers = #tpu.dot_dimension_numbers<[1], [0], [0], [1], [0, 0, 1, 1], [], []>, transpose_lhs_hint = false} : vector<10000x128xf32>, vector<128x128xf32>, vector<10000x128xf32> -> vector<10000x128xf32>
    %swap3A = arith.constant 0 : index
    %swap3A_6 = arith.constant 0 : index
    %swap3A_7 = vector.load %arg2[%swap3A, %swap3A_6] : memref<10000x128xf32, #tpu.memory_space<vmem>>, vector<10000x128xf32>
    tpu.vector_store %arg2[%swap3A, %swap3A_6], %dot_general3A_5 {strides = array<i32>} : memref<10000x128xf32, #tpu.memory_space<vmem>>, vector<10000x128xf32>,
    return
  }
}

module attributes {stable_mosaic.version = 14 : i64} {
  func.func @_edge_mlp_body(%arg0: i32, %arg1: memref<2000x128xf32, #tpu.memory_space<vmem>>, %arg2: memref<2000x32xf32, #tpu.memory_space<vmem>>, %arg3: memref<16x64xf32, #tpu.memory_space<vmem>>, %arg4: memref<1x64xf32, #tpu.memory_space<vmem>>, %arg5: memref<64x64xf32, #tpu.memory_space<vmem>>, %arg6: memref<1x64xf32, #tpu.memory_space<vmem>>, %arg7: memref<4000x128xf32, #tpu.memory_space<vmem>>) attributes {dimension_semantics = [#tpu.dimension_semantics<arbitrary>], iteration_bounds = array<i64: 80>, scalar_prefetch = 0 : i64, scratch_operands = 0 : i64, tpu.core_type = #tpu.core_type<tc>, window_params = [{transform_indices = @transform_0, window_bounds = array<i64: 2000, 128>}, {transform_indices = @transform_1, window_bounds = array<i64: 2000, 32>}, {pipeline_mode = #tpu.pipeline_mode<synchronous>, transform_indices = @transform_2, window_bounds = array<i64: 16, 64>}, {pipeline_mode = #tpu.pipeline_mode<synchronous>, transform_indices = @transform_3, window_bounds = array<i64: 1, 64>}, {pipeline_mode = #tpu.pipeline_mode<synchronous>, transform_indices = @transform_4, window_bounds = array<i64: 64, 64>}, {pipeline_mode = #tpu.pipeline_mode<synchronous>, transform_indices = @transform_5, window_bounds = array<i64: 1, 64>}, {transform_indices = @transform_6, window_bounds = array<i64: 4000, 128>}]} {
    %get3A = arith.constant 0 : index
    %get3A_0 = arith.constant 0 : index
    %get3A_1 = vector.load %arg1[%get3A, %get3A_0] : memref<2000x128xf32, #tpu.memory_space<vmem>>, vector<2000x128xf32>
    %get3A_2 = arith.constant 0 : index
    %get3A_3 = arith.constant 0 : index
    %get3A_4 = vector.load %arg2[%get3A_2, %get3A_3] : memref<2000x32xf32, #tpu.memory_space<vmem>>, vector<2000x32xf32>
    %slice3A = vector.extract_strided_slice %get3A_1 {offsets = [0, 0], sizes = [2000, 64], strides = [1, 1]} : vector<2000x128xf32> to vector<2000x64xf32>
    %slice3A_5 = vector.extract_strided_slice %get3A_4 {offsets = [0, 0], sizes = [2000, 16], strides = [1, 1]} : vector<2000x32xf32> to vector<2000x16xf32>
    %get3A_6 = arith.constant 0 : index
    %get3A_7 = arith.constant 0 : index
    %get3A_8 = vector.load %arg3[%get3A_6, %get3A_7] : memref<16x64xf32, #tpu.memory_space<vmem>>, vector<16x64xf32>
    %dot_general3A = arith.constant dense<0.000000e+00> : vector<2000x64xf32>
    %dot_general3A_9 = tpu.matmul %slice3A_5, %get3A_8, %dot_general3A {dimension_numbers = #tpu.dot_dimension_numbers<[1], [0], [0], [1], [0, 0, 1, 1], [], []>, transpose_lhs_hint = false} : vector<2000x16xf32>, vector<16x64xf32>, vector<2000x64xf32> -> vector<2000x64xf32>
    %add3A = arith.addf %slice3A, %dot_general3A_9 : vector<2000x64xf32>
    %get3A_10 = arith.constant 0 : index
    %get3A_11 = arith.constant 0 : index
    %get3A_12 = vector.load %arg4[%get3A_10, %get3A_11] : memref<1x64xf32, #tpu.memory_space<vmem>>, vector<1x64xf32>
    %add3A_13 = vector.broadcast %get3A_12 : vector<1x64xf32> to vector<2000x64xf32>
    %add3A_14 = arith.addf %add3A, %add3A_13 : vector<2000x64xf32>
    %logistic3A = arith.negf %add3A_14 : vector<2000x64xf32>
    %logistic3A_15 = math.exp %logistic3A : vector<2000x64xf32>
    %logistic3A_16 = arith.constant 1.000000e+00 : f32
    %logistic3A_17 = vector.broadcast %logistic3A_16 : f32 to vector<2000x64xf32>
    %logistic3A_18 = arith.addf %logistic3A_17, %logistic3A_15 : vector<2000x64xf32>
    %logistic3A_19 = arith.divf %logistic3A_17, %logistic3A_18 : vector<2000x64xf32>
    %mul3A = arith.mulf %add3A_14, %logistic3A_19 : vector<2000x64xf32>
    %get3A_20 = arith.constant 0 : index
    %get3A_21 = arith.constant 0 : index
    %get3A_22 = vector.load %arg5[%get3A_20, %get3A_21] : memref<64x64xf32, #tpu.memory_space<vmem>>, vector<64x64xf32>
    %dot_general3A_23 = arith.constant dense<0.000000e+00> : vector<2000x64xf32>
    %dot_general3A_24 = tpu.matmul %mul3A, %get3A_22, %dot_general3A_23 {dimension_numbers = #tpu.dot_dimension_numbers<[1], [0], [0], [1], [0, 0, 1, 1], [], []>, transpose_lhs_hint = false} : vector<2000x64xf32>, vector<64x64xf32>, vector<2000x64xf32> -> vector<2000x64xf32>
    %get3A_25 = arith.constant 0 : index
    %get3A_26 = arith.constant 0 : index
    %get3A_27 = vector.load %arg6[%get3A_25, %get3A_26] : memref<1x64xf32, #tpu.memory_space<vmem>>, vector<1x64xf32>
    %add3A_28 = vector.broadcast %get3A_27 : vector<1x64xf32> to vector<2000x64xf32>
    %add3A_29 = arith.addf %dot_general3A_24, %add3A_28 : vector<2000x64xf32>
    %logistic3A_30 = arith.negf %add3A_29 : vector<2000x64xf32>
    %logistic3A_31 = math.exp %logistic3A_30 : vector<2000x64xf32>
    %logistic3A_32 = arith.constant 1.000000e+00 : f32
    %logistic3A_33 = vector.broadcast %logistic3A_32 : f32 to vector<2000x64xf32>
    %logistic3A_34 = arith.addf %logistic3A_33, %logistic3A_31 : vector<2000x64xf32>
    %logistic3A_35 = arith.divf %logistic3A_33, %logistic3A_34 : vector<2000x64xf32>
    %mul3A_36 = arith.mulf %add3A_29, %logistic3A_35 : vector<2000x64xf32>
    %broadcast_in_dim3A = arith.constant 0.000000e+00 : f32
    %broadcast_in_dim3A_37 = vector.broadcast %broadcast_in_dim3A : f32 to vector<2000x64xf32>
    %concatenate3A = tpu.concatenate %mul3A_36, %broadcast_in_dim3A_37 in 1 : vector<2000x64xf32>, vector<2000x64xf32> -> vector<2000x128xf32>
    %slice3A_38 = vector.extract_strided_slice %get3A_1 {offsets = [0, 64], sizes = [2000, 64], strides = [1, 1]} : vector<2000x128xf32> to vector<2000x64xf32>
    %slice3A_39 = vector.extract_strided_slice %get3A_4 {offsets = [0, 16], sizes = [2000, 16], strides = [1, 1]} : vector<2000x32xf32> to vector<2000x16xf32>
    %get3A_40 = arith.constant 0 : index
    %get3A_41 = arith.constant 0 : index
    %get3A_42 = vector.load %arg3[%get3A_40, %get3A_41] : memref<16x64xf32, #tpu.memory_space<vmem>>, vector<16x64xf32>
    %dot_general3A_43 = arith.constant dense<0.000000e+00> : vector<2000x64xf32>
    %dot_general3A_44 = tpu.matmul %slice3A_39, %get3A_42, %dot_general3A_43 {dimension_numbers = #tpu.dot_dimension_numbers<[1], [0], [0], [1], [0, 0, 1, 1], [], []>, transpose_lhs_hint = false} : vector<2000x16xf32>, vector<16x64xf32>, vector<2000x64xf32> -> vector<2000x64xf32>
    %add3A_45 = arith.addf %slice3A_38, %dot_general3A_44 : vector<2000x64xf32>
    %get3A_46 = arith.constant 0 : index
    %get3A_47 = arith.constant 0 : index
    %get3A_48 = vector.load %arg4[%get3A_46, %get3A_47] : memref<1x64xf32, #tpu.memory_space<vmem>>, vector<1x64xf32>
    %add3A_49 = vector.broadcast %get3A_48 : vector<1x64xf32> to vector<2000x64xf32>
    %add3A_50 = arith.addf %add3A_45, %add3A_49 : vector<2000x64xf32>
    %logistic3A_51 = arith.negf %add3A_50 : vector<2000x64xf32>
    %logistic3A_52 = math.exp %logistic3A_51 : vector<2000x64xf32>
    %logistic3A_53 = arith.constant 1.000000e+00 : f32
    %logistic3A_54 = vector.broadcast %logistic3A_53 : f32 to vector<2000x64xf32>
    %logistic3A_55 = arith.addf %logistic3A_54, %logistic3A_52 : vector<2000x64xf32>
    %logistic3A_56 = arith.divf %logistic3A_54, %logistic3A_55 : vector<2000x64xf32>
    %mul3A_57 = arith.mulf %add3A_50, %logistic3A_56 : vector<2000x64xf32>
    %get3A_58 = arith.constant 0 : index
    %get3A_59 = arith.constant 0 : index
    %get3A_60 = vector.load %arg5[%get3A_58, %get3A_59] : memref<64x64xf32, #tpu.memory_space<vmem>>, vector<64x64xf32>
    %dot_general3A_61 = arith.constant dense<0.000000e+00> : vector<2000x64xf32>
    %dot_general3A_62 = tpu.matmul %mul3A_57, %get3A_60, %dot_general3A_61 {dimension_numbers = #tpu.dot_dimension_numbers<[1], [0], [0], [1], [0, 0, 1, 1], [], []>, transpose_lhs_hint = false} : vector<2000x64xf32>, vector<64x64xf32>, vector<2000x64xf32> -> vector<2000x64xf32>
    %get3A_63 = arith.constant 0 : index
    %get3A_64 = arith.constant 0 : index
    %get3A_65 = vector.load %arg6[%get3A_63, %get3A_64] : memref<1x64xf32, #tpu.memory_space<vmem>>, vector<1x64xf32>
    %add3A_66 = vector.broadcast %get3A_65 : vector<1x64xf32> to vector<2000x64xf32>
    %add3A_67 = arith.addf %dot_general3A_62, %add3A_66 : vector<2000x64xf32>
    %logistic3A_68 = arith.negf %add3A_67 : vector<2000x64xf32>
    %logistic3A_69 = math.exp %logistic3A_68 : vector<2000x64xf32>
    %logistic3A_70 = arith.constant 1.000000e+00 : f32
    %logistic3A_71 = vector.broadcast %logistic3A_70 : f32 to vector<2000x64xf32>
    %logistic3A_72 = arith.addf %logistic3A_71, %logistic3A_69 : vector<2000x64xf32>
    %logistic3A_73 = arith.divf %logistic3A_71, %logistic3A_72 : vector<2000x64xf32>
    %mul3A_74 = arith.mulf %add3A_67, %logistic3A_73 : vector<2000x64xf32>
    %broadcast_in_dim3A_75 = arith.constant 0.000000e+00 : f32
    %broadcast_in_dim3A_76 = vector.broadcast %broadcast_in_dim3A_75 : f32 to vector<2000x64xf32>
    %concatenate3A_77 = tpu.concatenate %mul3A_74, %broadcast_in_dim3A_76 in 1 : vector<2000x64xf32>, vector<2000x64xf32> -> vector<2000x128xf32>
    %concatenate3A_78 = tpu.concatenate %concatenate3A, %concatenate3A_77 in 0 : vector<2000x128xf32>, vector<2000x128xf32> -> vector<4000x128xf32>
    %swap3A = arith.constant 0 : index
    %swap3A_79 = arith.constant 0 : index
    %swap3A_80 = vector.load %arg7[%swap3A, %swap3A_79] : memref<4000x128xf32, #tpu.memory_space<vmem>>, vector<4000x128xf32>
    tpu.vector_store %arg7[%swap3A, %swap3A_79], %concatenate3A_78 {strides = array<i32>} : memref<4000x128xf32, #tpu.memory_space<vmem>>, vector<4000x128xf32>,
    return
  }
  func.func @transform_0(%arg0: i32) -> (i32, i32) {
    %c0_i32 = arith.constant 0 : i32
    %c0_i32_0 = arith.constant 0 : i32
    return %arg0, %c0_i32 : i32, i32
  }
  func.func @transform_1(%arg0: i32) -> (i32, i32) {
    %c0_i32 = arith.constant 0 : i32
    %c0_i32_0 = arith.constant 0 : i32
    return %arg0, %c0_i32 : i32, i32
  }
  func.func @transform_2(%arg0: i32) -> (i32, i32) {
    %c0_i32 = arith.constant 0 : i32
    %c0_i32_0 = arith.constant 0 : i32
    %c0_i32_1 = arith.constant 0 : i32
    return %c0_i32, %c0_i32_0 : i32, i32
  }
  func.func @transform_3(%arg0: i32) -> (i32, i32) {
    %c0_i32 = arith.constant 0 : i32
    %c0_i32_0 = arith.constant 0 : i32
    %c0_i32_1 = arith.constant 0 : i32
    return %c0_i32, %c0_i32_0 : i32, i32
  }
  func.func @transform_4(%arg0: i32) -> (i32, i32) {
    %c0_i32 = arith.constant 0 : i32
    %c0_i32_0 = arith.constant 0 : i32
    %c0_i32_1 = arith.constant 0 : i32
    return %c0_i32, %c0_i32_0 : i32, i32
  }
  func.func @transform_5(%arg0: i32) -> (i32, i32) {
    %c0_i32 = arith.constant 0 : i32
    %c0_i32_0 = arith.constant 0 : i32
    %c0_i32_1 = arith.constant 0 : i32
    return %c0_i32, %c0_i32_0 : i32, i32
  }
  func.func @transform_6(%arg0: i32) -> (i32, i32) {
    %c0_i32 = arith.constant 0 : i32
    %c0_i32_0 = arith.constant 0 : i32
    return %arg0, %c0_i32 : i32, i32
  }
}

module attributes {stable_mosaic.version = 14 : i64} {
  func.func @_node_mlp_body(%arg0: memref<10000x128xf32, #tpu.memory_space<vmem>>, %arg1: memref<10000x128xf32, #tpu.memory_space<vmem>>, %arg2: memref<10000x128xf32, #tpu.memory_space<vmem>>, %arg3: memref<128x128xf32, #tpu.memory_space<vmem>>, %arg4: memref<64x128xf32, #tpu.memory_space<vmem>>, %arg5: memref<1x128xf32, #tpu.memory_space<vmem>>, %arg6: memref<128x128xf32, #tpu.memory_space<vmem>>, %arg7: memref<1x128xf32, #tpu.memory_space<vmem>>, %arg8: memref<10000x128xf32, #tpu.memory_space<vmem>>) attributes {dimension_semantics = [], scalar_prefetch = 0 : i64, scratch_operands = 0 : i64, tpu.core_type = #tpu.core_type<tc>} {
    %get3A = arith.constant 0 : index
    %get3A_0 = arith.constant 0 : index
    %get3A_1 = vector.load %arg0[%get3A, %get3A_0] : memref<10000x128xf32, #tpu.memory_space<vmem>>, vector<10000x128xf32>
    %get3A_2 = arith.constant 0 : index
    %get3A_3 = arith.constant 0 : index
    %get3A_4 = vector.load %arg1[%get3A_2, %get3A_3] : memref<10000x128xf32, #tpu.memory_space<vmem>>, vector<10000x64xf32>
    %get3A_5 = arith.constant 0 : index
    %get3A_6 = arith.constant 0 : index
    %get3A_7 = vector.load %arg2[%get3A_5, %get3A_6] : memref<10000x128xf32, #tpu.memory_space<vmem>>, vector<10000x64xf32>
    %add3A = arith.addf %get3A_4, %get3A_7 : vector<10000x64xf32>
    %get3A_8 = arith.constant 0 : index
    %get3A_9 = arith.constant 0 : index
    %get3A_10 = vector.load %arg3[%get3A_8, %get3A_9] : memref<128x128xf32, #tpu.memory_space<vmem>>, vector<128x128xf32>
    %dot_general3A = arith.constant dense<0.000000e+00> : vector<10000x128xf32>
    %dot_general3A_11 = tpu.matmul %get3A_1, %get3A_10, %dot_general3A {dimension_numbers = #tpu.dot_dimension_numbers<[1], [0], [0], [1], [0, 0, 1, 1], [], []>, transpose_lhs_hint = false} : vector<10000x128xf32>, vector<128x128xf32>, vector<10000x128xf32> -> vector<10000x128xf32>
    %get3A_12 = arith.constant 0 : index
    %get3A_13 = arith.constant 0 : index
    %get3A_14 = vector.load %arg4[%get3A_12, %get3A_13] : memref<64x128xf32, #tpu.memory_space<vmem>>, vector<64x128xf32>
    %dot_general3A_15 = arith.constant dense<0.000000e+00> : vector<10000x128xf32>
    %dot_general3A_16 = tpu.matmul %add3A, %get3A_14, %dot_general3A_15 {dimension_numbers = #tpu.dot_dimension_numbers<[1], [0], [0], [1], [0, 0, 1, 1], [], []>, transpose_lhs_hint = false} : vector<10000x64xf32>, vector<64x128xf32>, vector<10000x128xf32> -> vector<10000x128xf32>
    %add3A_17 = arith.addf %dot_general3A_11, %dot_general3A_16 : vector<10000x128xf32>
    %get3A_18 = arith.constant 0 : index
    %get3A_19 = arith.constant 0 : index
    %get3A_20 = vector.load %arg5[%get3A_18, %get3A_19] : memref<1x128xf32, #tpu.memory_space<vmem>>, vector<1x128xf32>
    %add3A_21 = vector.broadcast %get3A_20 : vector<1x128xf32> to vector<10000x128xf32>
    %add3A_22 = arith.addf %add3A_17, %add3A_21 : vector<10000x128xf32>
    %logistic3A = arith.negf %add3A_22 : vector<10000x128xf32>
    %logistic3A_23 = math.exp %logistic3A : vector<10000x128xf32>
    %logistic3A_24 = arith.constant 1.000000e+00 : f32
    %logistic3A_25 = vector.broadcast %logistic3A_24 : f32 to vector<10000x128xf32>
    %logistic3A_26 = arith.addf %logistic3A_25, %logistic3A_23 : vector<10000x128xf32>
    %logistic3A_27 = arith.divf %logistic3A_25, %logistic3A_26 : vector<10000x128xf32>
    %mul3A = arith.mulf %add3A_22, %logistic3A_27 : vector<10000x128xf32>
    %get3A_28 = arith.constant 0 : index
    %get3A_29 = arith.constant 0 : index
    %get3A_30 = vector.load %arg6[%get3A_28, %get3A_29] : memref<128x128xf32, #tpu.memory_space<vmem>>, vector<128x128xf32>
    %dot_general3A_31 = arith.constant dense<0.000000e+00> : vector<10000x128xf32>
    %dot_general3A_32 = tpu.matmul %mul3A, %get3A_30, %dot_general3A_31 {dimension_numbers = #tpu.dot_dimension_numbers<[1], [0], [0], [1], [0, 0, 1, 1], [], []>, transpose_lhs_hint = false} : vector<10000x128xf32>, vector<128x128xf32>, vector<10000x128xf32> -> vector<10000x128xf32>
    %add3A_33 = arith.addf %get3A_1, %dot_general3A_32 : vector<10000x128xf32>
    %get3A_34 = arith.constant 0 : index
    %get3A_35 = arith.constant 0 : index
    %get3A_36 = vector.load %arg7[%get3A_34, %get3A_35] : memref<1x128xf32, #tpu.memory_space<vmem>>, vector<1x128xf32>
    %add3A_37 = vector.broadcast %get3A_36 : vector<1x128xf32> to vector<10000x128xf32>
    %add3A_38 = arith.addf %add3A_33, %add3A_37 : vector<10000x128xf32>
    %swap3A = arith.constant 0 : index
    %swap3A_39 = arith.constant 0 : index
    %swap3A_40 = vector.load %arg8[%swap3A, %swap3A_39] : memref<10000x128xf32, #tpu.memory_space<vmem>>, vector<10000x128xf32>
    tpu.vector_store %arg8[%swap3A, %swap3A_39], %add3A_38 {strides = array<i32>} : memref<10000x128xf32, #tpu.memory_space<vmem>>, vector<10000x128xf32>,
    return
  }
}

</mosaic_0001>

<sc_bundles>
// kernel: kernel.10.cloned.1.call-start
scs
__scs_entry_jumppad:
0x0: {  	(pc) =	sbr.rel $0x88, $3  }
0x1: {  	(tag) =	ssettag $0x0;
	lr =	simm.s32 $0x1  }
0x2: {  	[smem:$0x3F96] =	sst lr;
	_ =	strace $0xD0000000  }
0x3: {  	_ = 	snop  }
0x4: {  	_ = 	snop  }
0x5: {  	_ = 	snop  }
0x6: {  	_ = 	snop  }
0x7: {  	_ = 	snop  }
__scs_overlays_trampoline_lowered:
0x8: {  	[smem:$0x3FA5] =	sst s0  }
0x9: {  	[smem:$0x3FA6] =	sst s1  }
0xa: {  	[smem:$0x3FA7] =	sst s2  }
0xb: {  	[smem:$0x3FA8] =	sst s3  }
0xc: {  	[smem:$0x3FA9] =	sst s4  }
0xd: {  	[smem:$0x3FAA] =	sst s5  }
0xe: {  	[smem:$0x3FAB] =	sst s6  }
0xf: {  	[smem:$0x3FAC] =	sst s7  }
0x10: {  	[smem:$0x3FAD] =	sst s8  }
0x11: {  	[smem:$0x3FAE] =	sst s9;
	s0 =	simm.s32 @!p0 $0x0  }
0x12: {  	s1 =	sld [smem:$0x3F94];
	s0 =	simm.s32 @p0 $0x1  }
0x13: {  	[smem:$0x3FAF] =	sst s0;
	s0 =	simm.s32 @!p1 $0x0  }
0x14: {  	s2 =	sld [smem:$0x3F93];
	s0 =	simm.s32 @p1 $0x1  }
0x15: {  	[smem:$0x3FB0] =	sst s0;
	s0 =	simm.s32 @!p2 $0x0  }
0x16: {  	s3 =	sld [smem:$0x3FDB];
	s0 =	simm.s32 @p2 $0x1  }
0x17: {  	s4 =	simm.s32 $0x1BF5;
	[smem:$0x3FB2] =	sst s0  }
0x18: {  	s0 =	sld [smem:$0x3F95];
	_ =	swait.ge [sflag:s4], $0x0  }
0x19: {  	s7 =	sld [smem:$0x3F96]  }
0x1a: {  	s8 =	sadd.s32 $0xFFFFE003, lr  }
0x1b: {  	s9 =	sadd.s32 $0xFFFFFEF7, lr;
	s5 =	simm.s32 $0xFFFFFFFF;
	p2 =	slt.u32 s8, $0xFFFFF086  }
0x1c: {  	p1 =	slt.u32 s9, $0xF7A;
	s5 =	simm.s32 @!p2 $0x0  }
0x1d: {  	s5 =	simm.s32 @p1 $0x1;
	p0 =	seq.s32 s7, s2  }
0x1e: {  	s7 =	smul.u32 @!p0 $0xF7A, s2;
	p2 =	seq.s32 @!p0 s5, $0x0  }
0x1f: {  	s9 =	smul.u32 $0xF7A, s1;
	s8 =	simm.s32 @!p0 $0x1BF5;
	p2 =	por !p2, p0  }
0x20: {  	[sflag:s8] =	ssyncset.s32 @!p0 $0xFFFFF086;
	s6 =	sadd.s32 @!p0 s3, s7;
	s7 =	simm.s32 @!p0 $0x108  }
0x21: {  	s3 =	sadd.s32 s3, s9;
	s6 =	sadd.s32 @!p0 $0x88, s6;
	s7 =	simm.s32 @p2 $0x1082  }
0x22: {  	[simem:s7], [sflag:s8] =	dma.local @!p0 [hbm:s6], $0xF7A  }
0x23: {  	s9 =	sor.u32 $0xD0000000, s2;
	s6 =	simm.s32 $0x108;
	_ =	swait.ge @!p0 [sflag:s8], $0x0  }
0x24: {  	s3 =	sadd.s32 $0x88, s3;
	s6 =	simm.s32 @!p1 $0x1082;
	[sflag:s4] =	ssyncset.s32 $0xFFFFF086  }
0x25: {  	[simem:s6], [sflag:s4] =	dma.local [hbm:s3], $0xF7A  }
0x26: {  	[smem:$0x3F96] =	sst s1;
	(tag) =	ssettag s2;
	_ =	strace s9  }
0x27: {  	s1 =	sld [smem:$0x3FA6]  }
0x28: {  	s2 =	sld [smem:$0x3FA7]  }
0x29: {  	s4 =	sld [smem:$0x3FA9]  }
0x2a: {  	p0 =	seq.s32 s5, $0x0;
	s5 =	sld [smem:$0x3FAA]  }
0x2b: {  	s6 =	sld [smem:$0x3FAB]  }
0x2c: {  	s7 =	sld [smem:$0x3FAC]  }
0x2d: {  	s3 =	simm.s32 $0x108;
	s8 =	sld [smem:$0x3FAD]  }
0x2e: {  	s3 =	simm.s32 @!p0 $0x1082;
	s9 =	sld [smem:$0x3FAE]  }
0x2f: {  	lr =	sadd.s32 s0, s3;
	s0 =	sld [smem:$0x3FA5]  }
0x30: {  	s3 =	sld [smem:$0x3FA8]  }
0x31: {  	[smem:$0x3FB1] =	sst s10  }
0x32: {  	s10 =	sld [smem:$0x3FAF];
	_ =	sdelay $0x3  }
0x33: {  	p0 =	seq.s32 s10, $0x1;
	s10 =	sld [smem:$0x3FB1];
	_ =	sdelay $0x3  }
0x34: {  	[smem:$0x3FB1] =	sst s10  }
0x35: {  	s10 =	sld [smem:$0x3FB0];
	_ =	sdelay $0x3  }
0x36: {  	p1 =	seq.s32 s10, $0x1;
	s10 =	sld [smem:$0x3FB1];
	_ =	sdelay $0x3  }
0x37: {  	[smem:$0x3FB1] =	sst s10  }
0x38: {  	s10 =	sld [smem:$0x3FB2]  }
0x39: {  	_ = 	snop;
	(pc) =	sbr.ind lr, $3  }
0x3a: {  	_ = 	snop  }
0x3b: {  	_ = 	snop  }
0x3c: {  	p2 =	seq.s32 s10, $0x1;
	s10 =	sld [smem:$0x3FB1]  }
0x3d: {  	_ =	shalt  }
0x3e: {  	_ =	shalt  }
0x3f: {  	_ =	shalt  }
0x40: {  	_ =	shalt  }
0x41: {  	_ =	shalt  }
0x42: {  	_ =	shalt  }
0x43: {  	_ =	shalt  }
0x44: {  	_ =	shalt  }
0x45: {  	_ =	shalt  }
0x46: {  	_ =	shalt  }
0x47: {  	_ =	shalt  }
0x48: {  	_ =	shalt  }
0x49: {  	_ =	shalt  }
0x4a: {  	_ =	shalt  }
0x4b: {  	_ =	shalt  }
0x4c: {  	_ =	shalt  }
0x4d: {  	_ =	shalt  }
0x4e: {  	_ =	shalt  }
0x4f: {  	_ =	shalt  }
0x50: {  	_ =	shalt  }
0x51: {  	_ =	shalt  }
0x52: {  	_ =	shalt  }
0x53: {  	_ =	shalt  }
0x54: {  	_ =	shalt  }
0x55: {  	_ =	shalt  }
0x56: {  	_ =	shalt  }
0x57: {  	_ =	shalt  }
0x58: {  	_ =	shalt  }
0x59: {  	_ =	shalt  }
0x5a: {  	_ =	shalt  }
0x5b: {  	_ =	shalt  }
0x5c: {  	_ =	shalt  }
0x5d: {  	_ =	shalt  }
0x5e: {  	_ =	shalt  }
0x5f: {  	_ =	shalt  }
0x60: {  	_ =	shalt  }
0x61: {  	_ =	shalt  }
0x62: {  	_ =	shalt  }
0x63: {  	_ =	shalt  }
0x64: {  	_ =	shalt  }
0x65: {  	_ =	shalt  }
0x66: {  	_ =	shalt  }
0x67: {  	_ =	shalt  }
0x68: {  	_ =	shalt  }
0x69: {  	_ =	shalt  }
0x6a: {  	_ =	shalt  }
0x6b: {  	_ =	shalt  }
0x6c: {  	_ =	shalt  }
0x6d: {  	_ =	shalt  }
0x6e: {  	_ =	shalt  }
0x6f: {  	_ =	shalt  }
0x70: {  	_ =	shalt  }
0x71: {  	_ =	shalt  }
0x72: {  	_ =	shalt  }
0x73: {  	_ =	shalt  }
0x74: {  	_ =	shalt  }
0x75: {  	_ =	shalt  }
0x76: {  	_ =	shalt  }
0x77: {  	_ =	shalt  }
0x78: {  	_ =	shalt  }
0x79: {  	_ =	shalt  }
0x7a: {  	_ =	shalt  }
0x7b: {  	_ =	shalt  }
0x7c: {  	_ =	shalt  }
0x7d: {  	_ =	shalt  }
0x7e: {  	_ =	shalt  }
0x7f: {  	_ =	shalt  }
0x80: {  	_ =	shalt  }
0x81: {  	_ =	shalt  }
0x82: {  	_ =	shalt  }
0x83: {  	_ =	shalt  }
0x84: {  	_ =	shalt  }
0x85: {  	_ =	shalt  }
0x86: {  	_ =	shalt  }
0x87: {  	_ =	shalt  }
.Lfunc_end0:
.L_simem_size_0:
called_computation.1_lowered:
.L_overlay_start_0:
0x88: {  	s2 =	sld [smem:$0x3FD9]  }
0x89: {  	s3 =	sld [smem:$0x3FFE];
	_ =	sdelay $0x1  }
0x8a: {  	s1 =	srdreg.scid  }
0x8b: {  	s0 =	sand.u32 $0x1, s1  }
0x8c: {  	s17 =	sshll.u32 s0, $0xA;
	s2 =	sadd.s32 s3, s2  }
0x8d: {  	s2 =	sadd.s32 s2, s17  }
0x8e: {  	[smem:$0x3FBD] =	sst s2  }
0x8f: {  	_ = 	snop  }
0x90: {  	s2 =	sld [smem:$0x3FD0];
	(tm) =	ssettm $0x1  }
0x91: {  	s18 =	sld [smem:$0x3FFB];
	_ =	sdelay $0x3  }
0x92: {  	_ =	strace s18  }
0x93: {  	s3 =	sld [smem:$0x3FFC];
	_ =	sdelay $0x3  }
0x94: {  	_ =	strace s3  }
0x95: {  	s3 =	sld [smem:$0x3FFD];
	_ =	sdelay $0x3  }
0x96: {  	_ =	strace s3  }
0x97: {  	_ =	strace $0x8FFFFFFF  }
0x98: {  	s19 =	sld [smem:$0x3FDB];
	_ =	sdelay $0x1  }
0x99: {  	s4 =	simm.s32 $_scs_section_size  }
0x9a: {  	s5 =	simm.s32 $_size__tile_overlayer_lowered;
	s6 =	simm.s32 $_tile_overlayer_lowered  }
0x9b: {  	s22 =	simm.s32 $0x1BFF;
	s21 =	sshll.u32 s6, $0x1;
	s3 =	sadd.s32 s4, s19  }
0x9c: {  	s7 =	simm.s32 $0x0;
	s20 =	sshll.u32 s5, $0x1;
	s5 =	sadd.s32 s21, s3  }
0x9d: {  	[timem:s7], [sflag:s22] =	dma.local [hbm:s5], s20  }
0x9e: {  	_ =	swait.ge [sflag:s22], s20  }
0x9f: {  	s4 =	ssub.s32 $0x0, s20;
	[sflag:s22] =	ssyncset.done $0x0  }
0xa0: {  	[sflag:s22] =	ssyncadd.s32 s4;
	_ =	sdelay $0x1  }
0xa1: {  	s23 =	simm.s32 $0x1B8B  }
0xa2: {  	_ =	swait.ge [sflag:s23], $0x1  }
0xa3: {  	[sflag:s23] =	ssyncset.done $0x0  }
0xa4: {  	s25 =	simm.s32 $0x1B8E;
	s24 =	sld [smem:$0x3FFE];
	[sflag:s23] =	ssyncadd.s32 $0xFFFFFFFF  }
0xa5: {  	s26 =	simm.s32 $execute0_lowered;
	[smem:$0x3FD2] =	sst s25  }
0xa6: {  	s5 =	sshll.u32 s26, $0x1;
	_ =	strace $0x80000049;
	[dreg:$0x1] =	wrdreg $0xFFFFFFFF  }
0xa7: {  	s28 =	simm.s32 $_size_execute0_lowered;
	s3 =	sadd.s32 s3, s5;
	[dreg:$0x0] =	wrdreg $0x0  }
0xa8: {  	s5 =	sshll.u32 s28, $0x1;
	[dreg:$0x2] =	wrdreg s3  }
0xa9: {  	[dreg:$0x3] =	wrdreg s5  }
0xaa: {  	[dreg:$0x4] =	wrdreg $0xC0  }
0xab: {  	_ =	task [dreg:s7], $0x5FFFF  }
0xac: {  	[dreg:$0x1] =	wrdreg $0xFFFFFFFF  }
0xad: {  	[dreg:$0x0] =	wrdreg $0x60  }
0xae: {  	[dreg:$0x2] =	wrdreg s24  }
0xaf: {  	[dreg:$0x3] =	wrdreg s2  }
0xb0: {  	[dreg:$0x4] =	wrdreg $0x90000  }
0xb1: {  	[dreg:$0x5] =	wrdreg $0x9  }
0xb2: {  	_ =	task.clear_ibuf [dreg:s7], $0x6FFFF;
	_ =	strace $0x90000049  }
0xb3: {  	s29 =	simm.s32 $0x9;
	_ =	strace $0x8000004B  }
0xb4: {  	_ =	swait.ge [sflag:s29], $0x1  }
0xb5: {  	[sflag:s29] =	ssyncadd.s32 $0xFFFFFFFF  }
0xb6: {  	_ =	strace $0x9000004B  }
0xb7: {  	_ =	sfence  }
0xb8: {  	s30 =	sld [smem:$0x0];
	_ =	sdelay $0x2  }
0xb9: {  	s31 =	sshll.u32 s1, $0xD;
	s1 =	sshrl.u32 s1, $0x2  }
0xba: {  	s3 =	sand.u32 $0x4000, s31;
	s1 =	sadd.s32 s1, s30  }
0xbb: {  	s0 =	sor.u32 s3, s0;
	s1 =	sshll.u32 s1, $0x11  }
0xbc: {  	s0 =	sor.u32 s1, s0  }
0xbd: {  	s0 =	sadd.s32 $0x8F2B, s0  }
0xbe: {  	[sflag:s0] =	ssyncadd.remote.s32 $0x1  }
0xbf: {  	_ =	sfence.sel $0xFFFF  }
0xc0: {  	[dreg:$0x0] =	wrdreg $0xFFFFFFFF;
	(pc) =	sbr.abs _section_cstart, $3  }
0xc1: {  	[dreg:$0x1] =	wrdreg $0xFFFFFFFF  }
0xc2: {  	_ =	task.clear_ibuf [dreg:s7], $0x2FFFF;
	_ =	strace $0x9FFFFFFF  }
0xc3: {  	(tm) =	ssettm $0x7FFFFFFF  }
tec
execute0_lowered:
.L_overlay_start_1:
0x0: {  	(tag) =	ssettag $0x1  }
0x1: {  	s4 =	rddreg [dreg:$0x0]  }
0x2: {  	s5 =	rddreg [dreg:$0x1]  }
0x3: {  	s2 =	rddreg [dreg:$0x2]  }
0x4: {  	s0 =	rddreg [dreg:$0x3];
	s3 =	simm.s32 $0x0;
	s6 =	srdreg.scid  }
0x5: {  	s1 =	stileid.u32;
	s18 =	simm.s32 $0x1;
	s19 =	simm.s32 $0x3E00  }
0x6: {  	s20 =	simm.s32 $0x0;
	[smem:$0x7FF] =	sst s3;
	s10 =	smul.u32 $0x4E000, s1  }
0x7: {  	s8 =	sand.u32 $0x1, s6;
	s23 =	sshll.u32 s1, $0x1;
	s12 =	smul.u32 $0x2700, s1  }
0x8: {  	s9 =	sadd.s32 $0x298400, s4;
	s13 =	sadd.s32 $0x3800, s4;
	s17 =	smul.u32 $0x13800, s1  }
0x9: {  	s16 =	sadd.s32 $0x124800, s2;
	s29 =	smul.u32 $0x4E200, s1;
	p0 =	seq.s32 s1, $0xF  }
0xa: {  	_ =	strace $0x8000004A;
	s6 =	sor.u32 s8, s23;
	s26 =	smul.u32 $0x138800, s8  }
0xb: {  	s11 =	ssub.s32 $0x2, s8;
	s30 =	smul.u32 $0x27100, s8;
	s7 =	sshll.u32 s6, $0xB  }
0xc: {  	s24 =	sshrl.u32 s11, $0x1;
	s14 =	smul.u32 $0x27100, s6;
	s25 =	sshrl.u32 s10, $0x2  }
0xd: {  	s31 =	sadd.s32 s29, s9;
	s7 =	sadd.s32 s7, s4;
	s11 =	ssub.s32 s11, s24  }
0xe: {  	s15 =	sadd.s32 s25, s2;
	s4 =	sadd.s32 s5, s12;
	s5 =	sadd.s32 $0x24900, s5  }
0xf: {  	s28 =	sadd.s32 s17, s26;
	s10 =	sshrl.u32 s26, $0x3;
	s17 =	simm.s32 $0x50  }
0x10: {  	s6 =	sadd.s32 $0x288400, s7;
	s7 =	sadd.s32 s9, s14;
	s12 =	sshrl.u32 s28, $0x3  }
0x11: {  	s10 =	sadd.s32 s13, s10;
	s14 =	sshrl.u32 @!p0 s15, $0x3;
	s15 =	simm.s32 $0x3  }
0x12: {  	s8 =	sadd.s32 s13, s12;
	s9 =	sadd.s32 $0x24900, s10;
	s12 =	sadd.s32 s30, s31  }
0x13: {  	s10 =	smax.u32 s11, $0x1;
	s13 =	sshll.u32 @!p0 s1, $0x6;
	s11 =	sadd.s32 $0x500, s12  }
0x14: {  	s12 =	sshrl.u32 @p0 s16, $0x3;
	s13 =	sor.u32 @!p0 $0x1C03, s13;
	s16 =	simm.s32 $0x4000  }
.LBB2_1:
0x15: {  	s21 =	simm.s32 @p0 $0x1FC3  }
0x16: {  	[spmem:s12], [sflag:s21] =	dma.local @p0 [hbm:s5], $0x2800  }
0x17: {  	s21 =	simm.s32 @p0 $0x3  }
0x18: {  	_ =	swait.ge @p0 [sflag:s21], $0x2800  }
0x19: {  	[sflag:s21] =	ssyncset.done @p0 $0x0  }
0x1a: {  	[sflag:s21] =	ssyncadd.s32 @p0 $0xFFFFD800;
	s21 =	simm.s32 @!p0 $0x3  }
0x1b: {  	[spmem:s14], [sflag:s13] =	dma.local @!p0 [hbm:s4], $0x2700  }
0x1c: {  	_ =	swait.ge @!p0 [sflag:s21], $0x2700  }
0x1d: {  	[sflag:s21] =	ssyncset.done @!p0 $0x0  }
0x1e: {  	s26 =	sand.u32 $0x1, s3;
	[sflag:s21] =	ssyncadd.s32 @!p0 $0xFFFFD900  }
0x1f: {  	[tilespmem:s3], [sflag:$0x3] =	stream.linear.gather [hbm4b:s6+s3], $0x3E80, $0x38;
	[tilespmem:$0x1C880] =	vst v63  }
0x20: {  	s22 =	sxor.u32 $0x1, s26;
	s29 =	smul.u32 $0xA000, s26;
	_ =	swait.ge [sflag:s15], $0x3E80  }
0x21: {  	s30 =	simm.s32 $0x1;
	s23 =	smul.u32 $0xA000, s22;
	[sflag:s15] =	ssyncset.done $0x0  }
0x22: {  	s22 =	sadd.s32 $0x1, s22;
	s24 =	sshrl.u32 s29, $0x2;
	[sflag:s15] =	ssyncadd.s32 $0xFFFFC180  }
0x23: {  	s23 =	sshrl.u32 s23, $0x2;
	s31 =	sor.u32 $0x4000, s24;
	[bflag:$0x0] =	sbarrier.arrive $0xFFFF  }
0x24: {  	[tilespmem:s16], [sflag:$0x1] =	stream.linear.gather [hbm4b:s7+s3], $0x2800, $0x38;
	[tilespmem:$0x1C880] =	vst v63  }
0x25: {  	s23 =	sor.u32 $0x4000, s23;
	s21 =	sadd.s32 $0x1, s26;
	s26 =	simm.s32 $0x2  }
0x26: {  	[tilespmem:s23], [sflag:s22] =	stream.linear.gather [hbm4b:s11+s3], $0x2800, $0x38;
	[tilespmem:$0x1C880] =	vst v63  }
0x27: {  	s22 =	sand.u32 $0x1, s30;
	s23 =	sadd.s32 $0x500, s11;
	_ =	swait.ge [sflag:s21], $0x2800  }
0x28: {  	s24 =	sxor.u32 $0x1, s22;
	s25 =	smul.u32 $0xA000, s22;
	[sflag:s21] =	ssyncset.done $0x0  }
0x29: {  	s28 =	smul.u32 $0xA000, s24;
	[sflag:s21] =	ssyncadd.s32 $0xFFFFD800;
	s21 =	simm.s32 $0x80  }
0x2a: {  	[spmem:s2] =	stream.indirect.scatter.add.f32 [tilespmem:s31], [sflag:$0x3], $0x80, s3, s17, $0xb8;
	[tilespmem:$0x1C880] =	vst v63  }
.LBB2_2:
0x2b: {  	s28 =	sshrl.u32 s28, $0x2;
	s25 =	sshrl.u32 s25, $0x2;
	_ =	swait.ge [sflag:s15], $0x2800  }
0x2c: {  	s29 =	smov.u32 s26;
	s30 =	smov.u32 s21;
	s31 =	sadd.s32 $0x1, s26  }
0x2d: {  	p1 =	sne.s32 s26, $0x7B;
	s28 =	sor.u32 $0x4000, s28;
	[sflag:s15] =	ssyncset.done $0x0  }
0x2e: {  	s24 =	sadd.s32 $0x1, s24;
	s26 =	sadd.s32 $0x1, s22;
	[sflag:s15] =	ssyncadd.s32 $0xFFFFD800  }
0x2f: {  	[tilespmem:s28], [sflag:s24] =	stream.linear.gather [hbm4b:s23+s3], $0x2800, $0x38;
	[tilespmem:$0x1C880] =	vst v63  }
.Ltmp0:
0x30: {  	s21 =	sadd.s32 $0x80, s21;
	s23 =	sadd.s32 $0x500, s23;
	(pc) =	sbr.rel @p1 .LBB2_2-.Ltmp0, $4  }
0x31: {  	s22 =	sand.u32 $0x1, s29;
	s29 =	sor.u32 $0x4000, s25;
	_ =	swait.ge [sflag:s26], $0x2800  }
0x32: {  	s25 =	smul.u32 $0xA000, s22;
	s24 =	sxor.u32 $0x1, s22;
	[sflag:s26] =	ssyncset.done $0x0  }
0x33: {  	s28 =	smul.u32 $0xA000, s24;
	[sflag:s26] =	ssyncadd.s32 $0xFFFFD800;
	s26 =	smov.u32 s31  }
0x34: {  	[spmem:s2] =	stream.indirect.scatter.add.f32 [tilespmem:s29], [sflag:$0x3], $0x80, s30, s17, $0xb8;
	[tilespmem:$0x1C880] =	vst v63  }
0x35: {  	_ =	swait.ge [sflag:s15], $0x2800  }
0x36: {  	s26 =	sshrl.u32 s28, $0x2;
	s24 =	sadd.s32 $0x1, s24;
	[sflag:s15] =	ssyncset.done $0x0  }
0x37: {  	s22 =	sadd.s32 $0x1, s22;
	s26 =	sor.u32 $0x4000, s26;
	[sflag:s15] =	ssyncadd.s32 $0xFFFFD800  }
0x38: {  	[tilespmem:s26], [sflag:s24] =	stream.linear.gather [hbm4b:s23+s3], $0x2800, $0x38;
	[tilespmem:$0x1C880] =	vst v63  }
0x39: {  	_ =	swait.ge [sflag:s22], $0x2800  }
0x3a: {  	s31 =	sshrl.u32 s25, $0x2;
	[sflag:s22] =	ssyncset.done $0x0  }
0x3b: {  	s23 =	sor.u32 $0x4000, s31;
	[sflag:s22] =	ssyncadd.s32 $0xFFFFD800  }
0x3c: {  	[spmem:s2] =	stream.indirect.scatter.add.f32 [tilespmem:s23], [sflag:$0x3], $0x80, s21, s17, $0xb8;
	[tilespmem:$0x1C880] =	vst v63  }
0x3d: {  	_ =	swait.ge [sflag:s15], $0x2800  }
0x3e: {  	[sflag:s15] =	ssyncset.done $0x0  }
0x3f: {  	[sflag:s15] =	ssyncadd.s32 $0xFFFFD800  }
0x40: {  	_ =	swait.ge [sflag:s18], $0x2800  }
0x41: {  	[sflag:s18] =	ssyncset.done $0x0  }
0x42: {  	[sflag:s18] =	ssyncadd.s32 $0xFFFFD800  }
0x43: {  	[spmem:s2] =	stream.indirect.scatter.add.f32 [tilespmem:s16], [sflag:$0x3], $0x80, s19, s17, $0xb8;
	[tilespmem:$0x1C880] =	vst v63  }
0x44: {  	_ =	swait.ge [sflag:s15], $0x2800  }
0x45: {  	[sflag:s15] =	ssyncset.done $0x0  }
0x46: {  	[sflag:s15] =	ssyncadd.s32 $0xFFFFD800  }
0x47: {  	s21 =	simm.s32 @p0 $0x1FC3;
	[bflag:$0x0] =	sbarrier.arrive $0xFFFF  }
0x48: {  	[hbm:s9], [sflag:s21] =	dma.local @p0 [spmem:s12], $0x2800  }
0x49: {  	s21 =	simm.s32 @p0 $0x3  }
0x4a: {  	s20 =	sadd.s32 $0x1, s20;
	_ =	swait.ge @p0 [sflag:s21], $0x2800  }
0x4b: {  	p1 =	sne.s32 s20, s10;
	[sflag:s21] =	ssyncset.done @p0 $0x0  }
.Ltmp1:
0x4c: {  	[sflag:s21] =	ssyncadd.s32 @p0 $0xFFFFD800;
	s21 =	simm.s32 @!p0 $0x3;
	(pc) =	sbr.rel @p1 .LBB2_1-.Ltmp1, $4  }
0x4d: {  	[hbm:s8], [sflag:s13] =	dma.local @!p0 [spmem:s14], $0x2700  }
0x4e: {  	_ =	swait.ge @!p0 [sflag:s21], $0x2700  }
0x4f: {  	[sflag:s21] =	ssyncset.done @!p0 $0x0  }
0x50: {  	[sflag:s21] =	ssyncadd.s32 @!p0 $0xFFFFD900  }
0x51: {  	_ =	sfence.sel $0x180000  }
0x52: {  	[bflag:$0x0] =	sbarrier.arrive $0xFFFF  }
0x53: {  	p0 =	sne.s32 s1, $0x0;
	_ =	strace $0x9000004A  }
0x54: {  	s0 =	sadd.s32 @!p0 $0x100000, s0;
	[bflag:$0x2] =	sbarrier.arrive $0xFFFF  }
0x55: {  	[sflag:s0] =	ssyncadd.tile.s32 @!p0 $0x1;
	_ =	shalt  }
.Lfunc_end2:
_tile_overlayer_lowered:
.L_overlay_start_2:
0x56: {  	(tag) =	ssettag $0x2  }
0x57: {  	s0 =	rddreg [dreg:$0x0];
	s2 =	stileid.u32  }
0x58: {  	s1 =	rddreg [dreg:$0x1];
	p0 =	sne.s32 s2, $0x0  }
0x59: {  	s3 =	rddreg [dreg:$0x2];
	[bflag:$0x3] =	sbarrier.arrive $0xFFFF;
	s2 =	simm.s32 @!p0 $0x1C03  }
0x5a: {  	[timem:s3], [sflag:s2] =	dma.local @!p0 [hbm:s0], s1  }
0x5b: {  	s0 =	simm.s32 @!p0 $0x3  }
0x5c: {  	_ =	swait.ge @!p0 [sflag:s0], s1  }
0x5d: {  	s1 =	ssub.s32 @!p0 $0x0, s1;
	[sflag:s0] =	ssyncset.done @!p0 $0x0  }
0x5e: {  	[sflag:s0] =	ssyncadd.s32 @!p0 s1  }
0x5f: {  	[bflag:$0x3] =	sbarrier.arrive $0xFFFF  }
0x60: {  	_ =	shalt  }

// kernel: kernel.7.cloned.1.call-start
scs
__scs_entry_jumppad:
0x0: {  	(pc) =	sbr.rel $0x88, $3  }
0x1: {  	(tag) =	ssettag $0x0;
	lr =	simm.s32 $0x1  }
0x2: {  	[smem:$0x3F96] =	sst lr;
	_ =	strace $0xD0000000  }
0x3: {  	_ = 	snop  }
0x4: {  	_ = 	snop  }
0x5: {  	_ = 	snop  }
0x6: {  	_ = 	snop  }
0x7: {  	_ = 	snop  }
__scs_overlays_trampoline_lowered:
0x8: {  	[smem:$0x3FA5] =	sst s0  }
0x9: {  	[smem:$0x3FA6] =	sst s1  }
0xa: {  	[smem:$0x3FA7] =	sst s2  }
0xb: {  	[smem:$0x3FA8] =	sst s3  }
0xc: {  	[smem:$0x3FA9] =	sst s4  }
0xd: {  	[smem:$0x3FAA] =	sst s5  }
0xe: {  	[smem:$0x3FAB] =	sst s6  }
0xf: {  	[smem:$0x3FAC] =	sst s7  }
0x10: {  	[smem:$0x3FAD] =	sst s8  }
0x11: {  	[smem:$0x3FAE] =	sst s9;
	s0 =	simm.s32 @!p0 $0x0  }
0x12: {  	s1 =	sld [smem:$0x3F94];
	s0 =	simm.s32 @p0 $0x1  }
0x13: {  	[smem:$0x3FAF] =	sst s0;
	s0 =	simm.s32 @!p1 $0x0  }
0x14: {  	s2 =	sld [smem:$0x3F93];
	s0 =	simm.s32 @p1 $0x1  }
0x15: {  	[smem:$0x3FB0] =	sst s0;
	s0 =	simm.s32 @!p2 $0x0  }
0x16: {  	s3 =	sld [smem:$0x3FDB];
	s0 =	simm.s32 @p2 $0x1  }
0x17: {  	s4 =	simm.s32 $0x1BF5;
	[smem:$0x3FB2] =	sst s0  }
0x18: {  	s0 =	sld [smem:$0x3F95];
	_ =	swait.ge [sflag:s4], $0x0  }
0x19: {  	s7 =	sld [smem:$0x3F96]  }
0x1a: {  	s8 =	sadd.s32 $0xFFFFE003, lr  }
0x1b: {  	s9 =	sadd.s32 $0xFFFFFEF7, lr;
	s5 =	simm.s32 $0xFFFFFFFF;
	p2 =	slt.u32 s8, $0xFFFFF086  }
0x1c: {  	p1 =	slt.u32 s9, $0xF7A;
	s5 =	simm.s32 @!p2 $0x0  }
0x1d: {  	s5 =	simm.s32 @p1 $0x1;
	p0 =	seq.s32 s7, s2  }
0x1e: {  	s7 =	smul.u32 @!p0 $0xF7A, s2;
	p2 =	seq.s32 @!p0 s5, $0x0  }
0x1f: {  	s9 =	smul.u32 $0xF7A, s1;
	s8 =	simm.s32 @!p0 $0x1BF5;
	p2 =	por !p2, p0  }
0x20: {  	[sflag:s8] =	ssyncset.s32 @!p0 $0xFFFFF086;
	s6 =	sadd.s32 @!p0 s3, s7;
	s7 =	simm.s32 @!p0 $0x108  }
0x21: {  	s3 =	sadd.s32 s3, s9;
	s6 =	sadd.s32 @!p0 $0x88, s6;
	s7 =	simm.s32 @p2 $0x1082  }
0x22: {  	[simem:s7], [sflag:s8] =	dma.local @!p0 [hbm:s6], $0xF7A  }
0x23: {  	s9 =	sor.u32 $0xD0000000, s2;
	s6 =	simm.s32 $0x108;
	_ =	swait.ge @!p0 [sflag:s8], $0x0  }
0x24: {  	s3 =	sadd.s32 $0x88, s3;
	s6 =	simm.s32 @!p1 $0x1082;
	[sflag:s4] =	ssyncset.s32 $0xFFFFF086  }
0x25: {  	[simem:s6], [sflag:s4] =	dma.local [hbm:s3], $0xF7A  }
0x26: {  	[smem:$0x3F96] =	sst s1;
	(tag) =	ssettag s2;
	_ =	strace s9  }
0x27: {  	s1 =	sld [smem:$0x3FA6]  }
0x28: {  	s2 =	sld [smem:$0x3FA7]  }
0x29: {  	s4 =	sld [smem:$0x3FA9]  }
0x2a: {  	p0 =	seq.s32 s5, $0x0;
	s5 =	sld [smem:$0x3FAA]  }
0x2b: {  	s6 =	sld [smem:$0x3FAB]  }
0x2c: {  	s7 =	sld [smem:$0x3FAC]  }
0x2d: {  	s3 =	simm.s32 $0x108;
	s8 =	sld [smem:$0x3FAD]  }
0x2e: {  	s3 =	simm.s32 @!p0 $0x1082;
	s9 =	sld [smem:$0x3FAE]  }
0x2f: {  	lr =	sadd.s32 s0, s3;
	s0 =	sld [smem:$0x3FA5]  }
0x30: {  	s3 =	sld [smem:$0x3FA8]  }
0x31: {  	[smem:$0x3FB1] =	sst s10  }
0x32: {  	s10 =	sld [smem:$0x3FAF];
	_ =	sdelay $0x3  }
0x33: {  	p0 =	seq.s32 s10, $0x1;
	s10 =	sld [smem:$0x3FB1];
	_ =	sdelay $0x3  }
0x34: {  	[smem:$0x3FB1] =	sst s10  }
0x35: {  	s10 =	sld [smem:$0x3FB0];
	_ =	sdelay $0x3  }
0x36: {  	p1 =	seq.s32 s10, $0x1;
	s10 =	sld [smem:$0x3FB1];
	_ =	sdelay $0x3  }
0x37: {  	[smem:$0x3FB1] =	sst s10  }
0x38: {  	s10 =	sld [smem:$0x3FB2]  }
0x39: {  	_ = 	snop;
	(pc) =	sbr.ind lr, $3  }
0x3a: {  	_ = 	snop  }
0x3b: {  	_ = 	snop  }
0x3c: {  	p2 =	seq.s32 s10, $0x1;
	s10 =	sld [smem:$0x3FB1]  }
0x3d: {  	_ =	shalt  }
0x3e: {  	_ =	shalt  }
0x3f: {  	_ =	shalt  }
0x40: {  	_ =	shalt  }
0x41: {  	_ =	shalt  }
0x42: {  	_ =	shalt  }
0x43: {  	_ =	shalt  }
0x44: {  	_ =	shalt  }
0x45: {  	_ =	shalt  }
0x46: {  	_ =	shalt  }
0x47: {  	_ =	shalt  }
0x48: {  	_ =	shalt  }
0x49: {  	_ =	shalt  }
0x4a: {  	_ =	shalt  }
0x4b: {  	_ =	shalt  }
0x4c: {  	_ =	shalt  }
0x4d: {  	_ =	shalt  }
0x4e: {  	_ =	shalt  }
0x4f: {  	_ =	shalt  }
0x50: {  	_ =	shalt  }
0x51: {  	_ =	shalt  }
0x52: {  	_ =	shalt  }
0x53: {  	_ =	shalt  }
0x54: {  	_ =	shalt  }
0x55: {  	_ =	shalt  }
0x56: {  	_ =	shalt  }
0x57: {  	_ =	shalt  }
0x58: {  	_ =	shalt  }
0x59: {  	_ =	shalt  }
0x5a: {  	_ =	shalt  }
0x5b: {  	_ =	shalt  }
0x5c: {  	_ =	shalt  }
0x5d: {  	_ =	shalt  }
0x5e: {  	_ =	shalt  }
0x5f: {  	_ =	shalt  }
0x60: {  	_ =	shalt  }
0x61: {  	_ =	shalt  }
0x62: {  	_ =	shalt  }
0x63: {  	_ =	shalt  }
0x64: {  	_ =	shalt  }
0x65: {  	_ =	shalt  }
0x66: {  	_ =	shalt  }
0x67: {  	_ =	shalt  }
0x68: {  	_ =	shalt  }
0x69: {  	_ =	shalt  }
0x6a: {  	_ =	shalt  }
0x6b: {  	_ =	shalt  }
0x6c: {  	_ =	shalt  }
0x6d: {  	_ =	shalt  }
0x6e: {  	_ =	shalt  }
0x6f: {  	_ =	shalt  }
0x70: {  	_ =	shalt  }
0x71: {  	_ =	shalt  }
0x72: {  	_ =	shalt  }
0x73: {  	_ =	shalt  }
0x74: {  	_ =	shalt  }
0x75: {  	_ =	shalt  }
0x76: {  	_ =	shalt  }
0x77: {  	_ =	shalt  }
0x78: {  	_ =	shalt  }
0x79: {  	_ =	shalt  }
0x7a: {  	_ =	shalt  }
0x7b: {  	_ =	shalt  }
0x7c: {  	_ =	shalt  }
0x7d: {  	_ =	shalt  }
0x7e: {  	_ =	shalt  }
0x7f: {  	_ =	shalt  }
0x80: {  	_ =	shalt  }
0x81: {  	_ =	shalt  }
0x82: {  	_ =	shalt  }
0x83: {  	_ =	shalt  }
0x84: {  	_ =	shalt  }
0x85: {  	_ =	shalt  }
0x86: {  	_ =	shalt  }
0x87: {  	_ =	shalt  }
.Lfunc_end0:
.L_simem_size_0:
called_computation_lowered:
.L_overlay_start_0:
0x88: {  	s2 =	sld [smem:$0x3FD9]  }
0x89: {  	s3 =	sld [smem:$0x3FFE];
	_ =	sdelay $0x1  }
0x8a: {  	s1 =	srdreg.scid  }
0x8b: {  	s0 =	sand.u32 $0x1, s1  }
0x8c: {  	s17 =	sshll.u32 s0, $0xA;
	s2 =	sadd.s32 s3, s2  }
0x8d: {  	s2 =	sadd.s32 s2, s17  }
0x8e: {  	[smem:$0x3FBD] =	sst s2  }
0x8f: {  	_ = 	snop  }
0x90: {  	s2 =	sld [smem:$0x3FD0];
	(tm) =	ssettm $0x1  }
0x91: {  	s18 =	sld [smem:$0x3FFB];
	_ =	sdelay $0x3  }
0x92: {  	_ =	strace s18  }
0x93: {  	s3 =	sld [smem:$0x3FFC];
	_ =	sdelay $0x3  }
0x94: {  	_ =	strace s3  }
0x95: {  	s3 =	sld [smem:$0x3FFD];
	_ =	sdelay $0x3  }
0x96: {  	_ =	strace s3  }
0x97: {  	_ =	strace $0x8FFFFFFF  }
0x98: {  	s19 =	sld [smem:$0x3FDB];
	_ =	sdelay $0x1  }
0x99: {  	s4 =	simm.s32 $_scs_section_size  }
0x9a: {  	s5 =	simm.s32 $_size__tile_overlayer_lowered;
	s6 =	simm.s32 $_tile_overlayer_lowered  }
0x9b: {  	s22 =	simm.s32 $0x1BFF;
	s21 =	sshll.u32 s6, $0x1;
	s3 =	sadd.s32 s4, s19  }
0x9c: {  	s7 =	simm.s32 $0x0;
	s20 =	sshll.u32 s5, $0x1;
	s5 =	sadd.s32 s21, s3  }
0x9d: {  	[timem:s7], [sflag:s22] =	dma.local [hbm:s5], s20  }
0x9e: {  	_ =	swait.ge [sflag:s22], s20  }
0x9f: {  	s4 =	ssub.s32 $0x0, s20;
	[sflag:s22] =	ssyncset.done $0x0  }
0xa0: {  	[sflag:s22] =	ssyncadd.s32 s4;
	_ =	sdelay $0x1  }
0xa1: {  	s23 =	simm.s32 $0x1B8B  }
0xa2: {  	_ =	swait.ge [sflag:s23], $0x1  }
0xa3: {  	[sflag:s23] =	ssyncset.done $0x0  }
0xa4: {  	s25 =	simm.s32 $0x1B8E;
	s24 =	sld [smem:$0x3FFE];
	[sflag:s23] =	ssyncadd.s32 $0xFFFFFFFF  }
0xa5: {  	s26 =	simm.s32 $execute0_lowered;
	[smem:$0x3FD2] =	sst s25  }
0xa6: {  	s5 =	sshll.u32 s26, $0x1;
	_ =	strace $0x80000046;
	[dreg:$0x1] =	wrdreg $0xFFFFFFFF  }
0xa7: {  	s28 =	simm.s32 $_size_execute0_lowered;
	s3 =	sadd.s32 s3, s5;
	[dreg:$0x0] =	wrdreg $0x0  }
0xa8: {  	s5 =	sshll.u32 s28, $0x1;
	[dreg:$0x2] =	wrdreg s3  }
0xa9: {  	[dreg:$0x3] =	wrdreg s5  }
0xaa: {  	[dreg:$0x4] =	wrdreg $0xC0  }
0xab: {  	_ =	task [dreg:s7], $0x5FFFF  }
0xac: {  	[dreg:$0x1] =	wrdreg $0xFFFFFFFF  }
0xad: {  	[dreg:$0x0] =	wrdreg $0x60  }
0xae: {  	[dreg:$0x2] =	wrdreg s2  }
0xaf: {  	[dreg:$0x3] =	wrdreg s24  }
0xb0: {  	[dreg:$0x4] =	wrdreg $0x9  }
0xb1: {  	_ =	task.clear_ibuf [dreg:s7], $0x5FFFF;
	_ =	strace $0x90000046  }
0xb2: {  	s29 =	simm.s32 $0x9;
	_ =	strace $0x80000048  }
0xb3: {  	_ =	swait.ge [sflag:s29], $0x1  }
0xb4: {  	[sflag:s29] =	ssyncadd.s32 $0xFFFFFFFF  }
0xb5: {  	_ =	strace $0x90000048  }
0xb6: {  	_ =	sfence  }
0xb7: {  	s30 =	sld [smem:$0x0];
	_ =	sdelay $0x2  }
0xb8: {  	s31 =	sshll.u32 s1, $0xD;
	s1 =	sshrl.u32 s1, $0x2  }
0xb9: {  	s3 =	sand.u32 $0x4000, s31;
	s1 =	sadd.s32 s1, s30  }
0xba: {  	s0 =	sor.u32 s3, s0;
	s1 =	sshll.u32 s1, $0x11  }
0xbb: {  	s0 =	sor.u32 s1, s0  }
0xbc: {  	s0 =	sadd.s32 $0x8F2B, s0  }
0xbd: {  	[sflag:s0] =	ssyncadd.remote.s32 $0x1  }
0xbe: {  	_ =	sfence.sel $0xFFFF  }
0xbf: {  	[dreg:$0x0] =	wrdreg $0xFFFFFFFF;
	(pc) =	sbr.abs _section_cstart, $3  }
0xc0: {  	[dreg:$0x1] =	wrdreg $0xFFFFFFFF  }
0xc1: {  	_ =	task.clear_ibuf [dreg:s7], $0x2FFFF;
	_ =	strace $0x9FFFFFFF  }
0xc2: {  	(tm) =	ssettm $0x7FFFFFFF  }
0xc3: {  	_ =	shalt  }
tec
execute0_lowered:
.L_overlay_start_1:
0x0: {  	(tag) =	ssettag $0x1  }
0x1: {  	s1 =	srdreg.scid  }
0x2: {  	s0 =	stileid.u32;
	s2 =	rddreg [dreg:$0x0]  }
0x3: {  	s5 =	rddreg [dreg:$0x1];
	s3 =	simm.s32 $0x0;
	s10 =	simm.s32 $0x2780  }
0x4: {  	s11 =	simm.s32 $0x50;
	s12 =	simm.s32 $0x7700;
	s13 =	simm.s32 $0x27D0  }
0x5: {  	s14 =	simm.s32 $0xEF00;
	s15 =	simm.s32 $0x7;
	s16 =	simm.s32 $0x8  }
0x6: {  	s4 =	sand.u32 $0x1, s1;
	s31 =	sshll.u32 s0, $0x1;
	s1 =	rddreg [dreg:$0x2]  }
0x7: {  	s17 =	simm.s32 $0x0;
	[smem:$0x7FF] =	sst s3;
	s7 =	sor.u32 s4, s31  }
0x8: {  	s8 =	ssub.s32 $0x2, s4;
	_ =	strace $0x80000047;
	s6 =	smul.u32 $0x4E2, s7  }
0x9: {  	s4 =	sadd.s32 $0x17400, s5;
	s9 =	sshrl.u32 s8, $0x1;
	s7 =	smul.u32 $0x1388, s7  }
0xa: {  	s8 =	ssub.s32 s8, s9;
	s9 =	simm.s32 $0x9;
	s6 =	sadd.s32 s6, s5  }
0xb: {  	s8 =	smax.u32 s8, $0x1;
	s5 =	sadd.s32 $0xD600, s6;
	s6 =	sadd.s32 $0x3800, s6  }
.LBB2_1:
0xc: {  	[tilespmem:s3], [sflag:$0x9] =	stream.linear.gather [hbm4b:s5+s3], $0x2710, $0x38;
	[tilespmem:$0x16700] =	vst v63  }
0xd: {  	_ =	swait.ge [sflag:s9], $0x2710  }
0xe: {  	[sflag:s9] =	ssyncset.done $0x0  }
0xf: {  	[sflag:s9] =	ssyncadd.s32 $0xFFFFD8F0  }
0x10: {  	[tilespmem:s10], [sflag:$0x9] =	stream.linear.gather [hbm4b:s6+s3], $0x2710, $0x38;
	[tilespmem:$0x16700] =	vst v63  }
0x11: {  	_ =	swait.ge [sflag:s9], $0x2710  }
0x12: {  	[sflag:s9] =	ssyncset.done $0x0  }
0x13: {  	s18 =	simm.s32 $0x4F00;
	[sflag:s9] =	ssyncadd.s32 $0xFFFFD8F0  }
0x14: {  	[tilespmem:s18], [sflag:$0x1] =	stream.indirect.gather [hbm4b:s2+s11], $0x80, s3, s11, $0xb8;
	[tilespmem:$0x16700] =	vst v63  }
0x15: {  	s19 =	simm.s32 $0xC700  }
0x16: {  	[tilespmem:s19], [sflag:$0x4] =	stream.indirect.gather [hbm4b:s2+s11], $0x80, s10, s11, $0xb8;
	[tilespmem:$0x16700] =	vst v63  }
0x17: {  	_ = 	snop  }
0x18: {  	[tilespmem:s12], [sflag:$0x2] =	stream.indirect.gather [hbm4b:s2+s11], $0x80, s11, s11, $0xb8;
	[tilespmem:$0x16700] =	vst v63  }
0x19: {  	p0 =	por $0x0, $0x0;
	s20 =	simm.s32 $0x0  }
0x1a: {  	[tilespmem:s14], [sflag:$0x5] =	stream.indirect.gather [hbm4b:s2+s11], $0x80, s13, s11, $0xb8;
	[tilespmem:$0x16700] =	vst v63  }
.LBB2_2:
0x1b: {  	p1 =	sgt.u32 s20, $0x7A  }
0x1c: {  	s21 =	sadd.s32 @!p1 $0x2, s20  }
0x1d: {  	s22 =	smul.u32 @!p1 $0xAB, s21;
	_ =	sdelay $0x1  }
0x1e: {  	s23 =	smul.u32 $0xAB, s20;
	s22 =	sshrl.u32 @!p1 s22, $0x9  }
0x1f: {  	s24 =	smulhi.u32 $0xAAAAAAAB, s20;
	s22 =	sand.u32 @!p1 $0x7F, s22  }
0x20: {  	s23 =	sshrl.u32 s23, $0x9;
	s22 =	smul.u32 @!p1 $0x3, s22  }
0x21: {  	s23 =	sand.u32 $0x7F, s23  }
0x22: {  	s24 =	sshrl.u32 s24, $0x1;
	s23 =	smul.u32 $0x3, s23;
	s22 =	ssub.s32 @!p1 s21, s22  }
0x23: {  	s30 =	smul.u32 $0xFFFE2000, s24;
	s22 =	sand.u32 @!p1 $0xFF, s22  }
0x24: {  	s23 =	ssub.s32 s20, s23;
	s25 =	smul.u32 @!p1 $0x2800, s22  }
0x25: {  	s29 =	simm.s32 @!p1 $0x50;
	s23 =	sand.u32 $0xFF, s23;
	s21 =	smul.u32 @!p1 $0x50, s21  }
0x26: {  	s31 =	sadd.s32 $0x1, s23;
	s28 =	sadd.s32 @!p1 $0x1, s22;
	s26 =	sadd.s32 @!p1 $0x4F00, s25  }
0x27: {  	[tilespmem:s26], [sflag:s28] =	stream.indirect.gather @!p1 [hbm4b:s2+s29], $0x80, s21, s29, $0xb8;
	[tilespmem:$0x16700] =	vst v63  }
0x28: {  	s22 =	sor.u32 @!p1 $0x4, s22;
	s25 =	sadd.s32 @!p1 $0xC700, s25;
	s21 =	sadd.s32 @!p1 $0x2780, s21  }
0x29: {  	[tilespmem:s25], [sflag:s22] =	stream.indirect.gather @!p1 [hbm4b:s2+s29], $0x80, s21, s29, $0xb8;
	[tilespmem:$0x16700] =	vst v63  }
0x2a: {  	s24 =	sshra.s32 s30, $0x2;
	_ =	swait.ge [sflag:s31], $0x2800  }
0x2b: {  	s30 =	sadd.s32 s24, s18;
	s23 =	sadd.s32 $0x4, s23;
	[sflag:s31] =	ssyncset.done $0x0  }
0x2c: {  	s21 =	simm.s32 $0x1;
	s25 =	sadd.s32 s24, s19;
	[sflag:s31] =	ssyncadd.s32 $0xFFFFD800  }
0x2d: {  	p1 =	slt.u32 s20, $0x2;
	s21 =	simm.s32 @!p0 $0x0;
	_ =	swait.ge [sflag:s23], $0x2800  }
0x2e: {  	s26 =	smul.u32 $0x5000, s21;
	s21 =	sand.u32 $0x1, s20;
	[sflag:s23] =	ssyncset.done $0x0  }
0x2f: {  	v0 =	vmov s30;
	s22 =	sadd.s32 @!p1 $0x7, s21;
	s29 =	smul.u32 $0x5000, s21;
	[sflag:s23] =	ssyncadd.s32 $0xFFFFD800  }
0x30: {  	s24 =	simm.s32 $0x0;
	v1 =	vmov s25;
	_ =	swait.ge @!p1 [sflag:s22], $0x1400  }
0x31: {  	s31 =	sshrl.u32 s29, $0x2;
	s23 =	sshrl.u32 s26, $0x2;
	[sflag:s22] =	ssyncset.done @!p1 $0x0  }
0x32: {  	s23 =	sor.u32 $0x14000, s23;
	[sflag:s22] =	ssyncadd.s32 @!p1 $0xFFFFEC00;
	s22 =	sadd.s32 $0x13F00, s31  }
.LBB2_3:
0x33: {  	s25 =	sshra.s32 s24, $0x2  }
0x34: {  	v2 =	vld.idx.msk [tilespmem:v0+s25+$0x0 ss:$0x1], $0xffff  }
0x35: {  	v3 =	vld.idx.msk [tilespmem:v1+s25+$0x40 ss:$0x1], $0xffff;
	_ =	sdelay $0x4  }
0x36: {  	v2 =	vadd.f32 v3, v2;
	_ =	sdelay $0x1  }
0x37: {  	[tilespmem:s23+$0xFFFFFF00] =	vst v2  }
0x38: {  	v2 =	vld.idx.msk [tilespmem:v0+s25+$0x80 ss:$0x1], $0xffff  }
0x39: {  	v3 =	vld.idx.msk [tilespmem:v1+s25+$0xC0 ss:$0x1], $0xffff;
	_ =	sdelay $0x4  }
0x3a: {  	v2 =	vadd.f32 v3, v2;
	_ =	sdelay $0x1  }
0x3b: {  	[tilespmem:s23+$0xFFFFFF40] =	vst v2  }
0x3c: {  	v2 =	vld.idx.msk [tilespmem:v0+s25+$0x10 ss:$0x1], $0xffff  }
0x3d: {  	v3 =	vld.idx.msk [tilespmem:v1+s25+$0x50 ss:$0x1], $0xffff;
	_ =	sdelay $0x4  }
0x3e: {  	v2 =	vadd.f32 v3, v2;
	_ =	sdelay $0x1  }
0x3f: {  	[tilespmem:s23+$0xFFFFFF10] =	vst v2  }
0x40: {  	v2 =	vld.idx.msk [tilespmem:v0+s25+$0x90 ss:$0x1], $0xffff  }
0x41: {  	v3 =	vld.idx.msk [tilespmem:v1+s25+$0xD0 ss:$0x1], $0xffff;
	_ =	sdelay $0x4  }
0x42: {  	v2 =	vadd.f32 v3, v2;
	_ =	sdelay $0x1  }
0x43: {  	[tilespmem:s23+$0xFFFFFF50] =	vst v2  }
0x44: {  	v2 =	vld.idx.msk [tilespmem:v0+s25+$0x20 ss:$0x1], $0xffff  }
0x45: {  	v3 =	vld.idx.msk [tilespmem:v1+s25+$0x60 ss:$0x1], $0xffff;
	_ =	sdelay $0x4  }
0x46: {  	v2 =	vadd.f32 v3, v2;
	_ =	sdelay $0x1  }
0x47: {  	[tilespmem:s23+$0xFFFFFF20] =	vst v2  }
0x48: {  	v2 =	vld.idx.msk [tilespmem:v0+s25+$0xA0 ss:$0x1], $0xffff  }
0x49: {  	v3 =	vld.idx.msk [tilespmem:v1+s25+$0xE0 ss:$0x1], $0xffff;
	_ =	sdelay $0x4  }
0x4a: {  	v2 =	vadd.f32 v3, v2;
	_ =	sdelay $0x1  }
0x4b: {  	[tilespmem:s23+$0xFFFFFF60] =	vst v2  }
0x4c: {  	v2 =	vld.idx.msk [tilespmem:v0+s25+$0x30 ss:$0x1], $0xffff  }
0x4d: {  	v3 =	vld.idx.msk [tilespmem:v1+s25+$0x70 ss:$0x1], $0xffff;
	_ =	sdelay $0x4  }
0x4e: {  	v2 =	vadd.f32 v3, v2;
	_ =	sdelay $0x1  }
0x4f: {  	[tilespmem:s23+$0xFFFFFF30] =	vst v2  }
0x50: {  	v2 =	vld.idx.msk [tilespmem:v0+s25+$0xB0 ss:$0x1], $0xffff  }
0x51: {  	v3 =	vld.idx.msk [tilespmem:v1+s25+$0xF0 ss:$0x1], $0xffff;
	_ =	sdelay $0x4  }
0x52: {  	v2 =	vadd.f32 v3, v2;
	_ =	sdelay $0x1  }
0x53: {  	[tilespmem:s23+$0xFFFFFF70] =	vst v2  }
0x54: {  	v2 =	vld.idx.msk [tilespmem:v0+s25+$0x100 ss:$0x1], $0xffff  }
0x55: {  	v3 =	vld.idx.msk [tilespmem:v1+s25+$0x140 ss:$0x1], $0xffff;
	_ =	sdelay $0x4  }
0x56: {  	v2 =	vadd.f32 v3, v2;
	_ =	sdelay $0x1  }
0x57: {  	[tilespmem:s23+$0xFFFFFF80] =	vst v2  }
0x58: {  	v2 =	vld.idx.msk [tilespmem:v0+s25+$0x180 ss:$0x1], $0xffff  }
0x59: {  	v3 =	vld.idx.msk [tilespmem:v1+s25+$0x1C0 ss:$0x1], $0xffff;
	_ =	sdelay $0x4  }
0x5a: {  	v2 =	vadd.f32 v3, v2;
	_ =	sdelay $0x1  }
0x5b: {  	[tilespmem:s23+$0xFFFFFFC0] =	vst v2  }
0x5c: {  	v2 =	vld.idx.msk [tilespmem:v0+s25+$0x110 ss:$0x1], $0xffff  }
0x5d: {  	v3 =	vld.idx.msk [tilespmem:v1+s25+$0x150 ss:$0x1], $0xffff;
	_ =	sdelay $0x4  }
0x5e: {  	v2 =	vadd.f32 v3, v2;
	_ =	sdelay $0x1  }
0x5f: {  	[tilespmem:s23+$0xFFFFFF90] =	vst v2  }
0x60: {  	v2 =	vld.idx.msk [tilespmem:v0+s25+$0x190 ss:$0x1], $0xffff  }
0x61: {  	v3 =	vld.idx.msk [tilespmem:v1+s25+$0x1D0 ss:$0x1], $0xffff;
	_ =	sdelay $0x4  }
0x62: {  	v2 =	vadd.f32 v3, v2;
	_ =	sdelay $0x1  }
0x63: {  	[tilespmem:s23+$0xFFFFFFD0] =	vst v2  }
0x64: {  	v2 =	vld.idx.msk [tilespmem:v0+s25+$0x120 ss:$0x1], $0xffff  }
0x65: {  	v3 =	vld.idx.msk [tilespmem:v1+s25+$0x160 ss:$0x1], $0xffff;
	_ =	sdelay $0x4  }
0x66: {  	v2 =	vadd.f32 v3, v2;
	_ =	sdelay $0x1  }
0x67: {  	[tilespmem:s23+$0xFFFFFFA0] =	vst v2  }
0x68: {  	v2 =	vld.idx.msk [tilespmem:v0+s25+$0x1A0 ss:$0x1], $0xffff  }
0x69: {  	v3 =	vld.idx.msk [tilespmem:v1+s25+$0x1E0 ss:$0x1], $0xffff;
	_ =	sdelay $0x4  }
0x6a: {  	v2 =	vadd.f32 v3, v2;
	_ =	sdelay $0x1  }
0x6b: {  	[tilespmem:s23+$0xFFFFFFE0] =	vst v2  }
0x6c: {  	v2 =	vld.idx.msk [tilespmem:v0+s25+$0x130 ss:$0x1], $0xffff  }
0x6d: {  	v3 =	vld.idx.msk [tilespmem:v1+s25+$0x170 ss:$0x1], $0xffff;
	_ =	sdelay $0x4  }
0x6e: {  	v2 =	vadd.f32 v3, v2;
	_ =	sdelay $0x1  }
0x6f: {  	[tilespmem:s23+$0xFFFFFFB0] =	vst v2  }
0x70: {  	v2 =	vld.idx.msk [tilespmem:v0+s25+$0x1B0 ss:$0x1], $0xffff  }
0x71: {  	v3 =	vld.idx.msk [tilespmem:v1+s25+$0x1F0 ss:$0x1], $0xffff;
	_ =	sdelay $0x4  }
0x72: {  	v2 =	vadd.f32 v3, v2;
	_ =	sdelay $0x1  }
0x73: {  	[tilespmem:s23+$0xFFFFFFF0] =	vst v2  }
0x74: {  	v2 =	vld.idx.msk [tilespmem:v0+s25+$0x200 ss:$0x1], $0xffff  }
0x75: {  	v3 =	vld.idx.msk [tilespmem:v1+s25+$0x240 ss:$0x1], $0xffff;
	_ =	sdelay $0x4  }
0x76: {  	v2 =	vadd.f32 v3, v2;
	_ =	sdelay $0x1  }
0x77: {  	[tilespmem:s23+$0x0] =	vst v2  }
0x78: {  	v2 =	vld.idx.msk [tilespmem:v0+s25+$0x280 ss:$0x1], $0xffff  }
0x79: {  	v3 =	vld.idx.msk [tilespmem:v1+s25+$0x2C0 ss:$0x1], $0xffff;
	_ =	sdelay $0x4  }
0x7a: {  	v2 =	vadd.f32 v3, v2;
	_ =	sdelay $0x1  }
0x7b: {  	[tilespmem:s23+$0x40] =	vst v2  }
0x7c: {  	v2 =	vld.idx.msk [tilespmem:v0+s25+$0x210 ss:$0x1], $0xffff  }
0x7d: {  	v3 =	vld.idx.msk [tilespmem:v1+s25+$0x250 ss:$0x1], $0xffff;
	_ =	sdelay $0x4  }
0x7e: {  	v2 =	vadd.f32 v3, v2;
	_ =	sdelay $0x1  }
0x7f: {  	[tilespmem:s23+$0x10] =	vst v2  }
0x80: {  	v2 =	vld.idx.msk [tilespmem:v0+s25+$0x290 ss:$0x1], $0xffff  }
0x81: {  	v3 =	vld.idx.msk [tilespmem:v1+s25+$0x2D0 ss:$0x1], $0xffff;
	_ =	sdelay $0x4  }
0x82: {  	v2 =	vadd.f32 v3, v2;
	_ =	sdelay $0x1  }
0x83: {  	[tilespmem:s23+$0x50] =	vst v2  }
0x84: {  	v2 =	vld.idx.msk [tilespmem:v0+s25+$0x220 ss:$0x1], $0xffff  }
0x85: {  	v3 =	vld.idx.msk [tilespmem:v1+s25+$0x260 ss:$0x1], $0xffff;
	_ =	sdelay $0x4  }
0x86: {  	v2 =	vadd.f32 v3, v2;
	_ =	sdelay $0x1  }
0x87: {  	[tilespmem:s23+$0x20] =	vst v2  }
0x88: {  	v2 =	vld.idx.msk [tilespmem:v0+s25+$0x2A0 ss:$0x1], $0xffff  }
0x89: {  	v3 =	vld.idx.msk [tilespmem:v1+s25+$0x2E0 ss:$0x1], $0xffff;
	_ =	sdelay $0x4  }
0x8a: {  	v2 =	vadd.f32 v3, v2;
	_ =	sdelay $0x1  }
0x8b: {  	[tilespmem:s23+$0x60] =	vst v2  }
0x8c: {  	v2 =	vld.idx.msk [tilespmem:v0+s25+$0x230 ss:$0x1], $0xffff  }
0x8d: {  	v3 =	vld.idx.msk [tilespmem:v1+s25+$0x270 ss:$0x1], $0xffff;
	_ =	sdelay $0x4  }
0x8e: {  	v2 =	vadd.f32 v3, v2;
	_ =	sdelay $0x1  }
0x8f: {  	[tilespmem:s23+$0x30] =	vst v2  }
0x90: {  	v2 =	vld.idx.msk [tilespmem:v0+s25+$0x2B0 ss:$0x1], $0xffff  }
0x91: {  	v3 =	vld.idx.msk [tilespmem:v1+s25+$0x2F0 ss:$0x1], $0xffff;
	_ =	sdelay $0x4  }
0x92: {  	v2 =	vadd.f32 v3, v2;
	_ =	sdelay $0x1  }
0x93: {  	[tilespmem:s23+$0x70] =	vst v2  }
0x94: {  	v2 =	vld.idx.msk [tilespmem:v0+s25+$0x300 ss:$0x1], $0xffff  }
0x95: {  	v3 =	vld.idx.msk [tilespmem:v1+s25+$0x340 ss:$0x1], $0xffff;
	_ =	sdelay $0x4  }
0x96: {  	v2 =	vadd.f32 v3, v2;
	_ =	sdelay $0x1  }
0x97: {  	[tilespmem:s23+$0x80] =	vst v2  }
0x98: {  	v2 =	vld.idx.msk [tilespmem:v0+s25+$0x380 ss:$0x1], $0xffff  }
0x99: {  	v3 =	vld.idx.msk [tilespmem:v1+s25+$0x3C0 ss:$0x1], $0xffff;
	_ =	sdelay $0x4  }
0x9a: {  	v2 =	vadd.f32 v3, v2;
	_ =	sdelay $0x1  }
0x9b: {  	[tilespmem:s23+$0xC0] =	vst v2  }
0x9c: {  	v2 =	vld.idx.msk [tilespmem:v0+s25+$0x310 ss:$0x1], $0xffff  }
0x9d: {  	v3 =	vld.idx.msk [tilespmem:v1+s25+$0x350 ss:$0x1], $0xffff;
	_ =	sdelay $0x4  }
0x9e: {  	v2 =	vadd.f32 v3, v2;
	_ =	sdelay $0x1  }
0x9f: {  	[tilespmem:s23+$0x90] =	vst v2  }
0xa0: {  	v2 =	vld.idx.msk [tilespmem:v0+s25+$0x390 ss:$0x1], $0xffff  }
0xa1: {  	v3 =	vld.idx.msk [tilespmem:v1+s25+$0x3D0 ss:$0x1], $0xffff;
	_ =	sdelay $0x4  }
0xa2: {  	v2 =	vadd.f32 v3, v2;
	_ =	sdelay $0x1  }
0xa3: {  	[tilespmem:s23+$0xD0] =	vst v2  }
0xa4: {  	v2 =	vld.idx.msk [tilespmem:v0+s25+$0x320 ss:$0x1], $0xffff  }
0xa5: {  	v3 =	vld.idx.msk [tilespmem:v1+s25+$0x360 ss:$0x1], $0xffff;
	_ =	sdelay $0x4  }
0xa6: {  	v2 =	vadd.f32 v3, v2;
	_ =	sdelay $0x1  }
0xa7: {  	[tilespmem:s23+$0xA0] =	vst v2  }
0xa8: {  	v2 =	vld.idx.msk [tilespmem:v0+s25+$0x3A0 ss:$0x1], $0xffff  }
0xa9: {  	v3 =	vld.idx.msk [tilespmem:v1+s25+$0x3E0 ss:$0x1], $0xffff;
	_ =	sdelay $0x4  }
0xaa: {  	v2 =	vadd.f32 v3, v2;
	_ =	sdelay $0x1  }
0xab: {  	[tilespmem:s23+$0xE0] =	vst v2  }
0xac: {  	v2 =	vld.idx.msk [tilespmem:v0+s25+$0x330 ss:$0x1], $0xffff  }
0xad: {  	v3 =	vld.idx.msk [tilespmem:v1+s25+$0x370 ss:$0x1], $0xffff;
	_ =	sdelay $0x4  }
0xae: {  	v2 =	vadd.f32 v3, v2;
	_ =	sdelay $0x1  }
0xaf: {  	[tilespmem:s23+$0xB0] =	vst v2  }
0xb0: {  	v2 =	vld.idx.msk [tilespmem:v0+s25+$0x3B0 ss:$0x1], $0xffff  }
0xb1: {  	v3 =	vld.idx.msk [tilespmem:v1+s25+$0x3F0 ss:$0x1], $0xffff;
	_ =	sdelay $0x1  }
0xb2: {  	p1 =	sne.s32 s24, $0x9000  }
.Ltmp0:
0xb3: {  	_ = 	snop;
	(pc) =	sbr.rel @p1 .LBB2_3-.Ltmp0, $3  }
0xb4: {  	_ = 	snop  }
0xb5: {  	v2 =	vadd.f32 v3, v2;
	_ =	sdelay $0x1  }
0xb6: {  	s24 =	sadd.s32 $0x1000, s24;
	[tilespmem:s23+$0xF0] =	vst v2;
	s23 =	sadd.s32 $0x200, s23  }
0xb7: {  	s23 =	smul.u32 $0x28, s20;
	s20 =	sadd.s32 $0x1, s20  }
0xb8: {  	p1 =	sne.s32 s20, $0x7D  }
.Ltmp1:
0xb9: {  	_ = 	snop;
	(pc) =	sbr.rel @p1 .LBB2_2-.Ltmp1, $4  }
0xba: {  	s23 =	sadd.s32 s7, s23  }
0xbb: {  	s21 =	sadd.s32 $0x7, s21;
	s19 =	sadd.s32 $0x2800, s19;
	s23 =	sshll.u32 s23, $0x4  }
0xbc: {  	s18 =	sadd.s32 $0x2800, s18;
	p0 =	por !p0, !p0;
	s23 =	sadd.s32 s4, s23  }
0xbd: {  	[hbm4b:s23+s3] =	stream.linear.scatter [tilespmem:s22], [sflag:s21], $0x1400, $0x38;
	[tilespmem:$0x16700] =	vst v63  }
0xbe: {  	s17 =	sadd.s32 $0x1, s17  }
0xbf: {  	_ =	swait.ge [sflag:s15], $0x1400;
	p0 =	sne.s32 s17, s8  }
.Ltmp2:
0xc0: {  	[sflag:s15] =	ssyncset.done $0x0;
	(pc) =	sbr.rel @p0 .LBB2_1-.Ltmp2, $4  }
0xc1: {  	[sflag:s15] =	ssyncadd.s32 $0xFFFFEC00  }
0xc2: {  	_ =	swait.ge [sflag:s16], $0x1400  }
0xc3: {  	[sflag:s16] =	ssyncset.done $0x0  }
0xc4: {  	[sflag:s16] =	ssyncadd.s32 $0xFFFFEC00  }
0xc5: {  	_ =	sfence.sel $0x180000  }
0xc6: {  	[bflag:$0x0] =	sbarrier.arrive $0xFFFF  }
0xc7: {  	p0 =	sne.s32 s0, $0x0;
	_ =	strace $0x90000047  }
0xc8: {  	s0 =	sadd.s32 @!p0 $0x100000, s1;
	[bflag:$0x2] =	sbarrier.arrive $0xFFFF  }
0xc9: {  	[sflag:s0] =	ssyncadd.tile.s32 @!p0 $0x1;
	_ =	shalt  }
.Lfunc_end2:
_tile_overlayer_lowered:
.L_overlay_start_2:
0xca: {  	(tag) =	ssettag $0x2  }
0xcb: {  	s0 =	rddreg [dreg:$0x0];
	s2 =	stileid.u32  }
0xcc: {  	s1 =	rddreg [dreg:$0x1];
	p0 =	sne.s32 s2, $0x0  }
0xcd: {  	s3 =	rddreg [dreg:$0x2];
	[bflag:$0x3] =	sbarrier.arrive $0xFFFF;
	s2 =	simm.s32 @!p0 $0x1C09  }
0xce: {  	[timem:s3], [sflag:s2] =	dma.local @!p0 [hbm:s0], s1  }
0xcf: {  	s0 =	simm.s32 @!p0 $0x9  }
0xd0: {  	_ =	swait.ge @!p0 [sflag:s0], s1  }
0xd1: {  	s1 =	ssub.s32 @!p0 $0x0, s1;
	[sflag:s0] =	ssyncset.done @!p0 $0x0  }
0xd2: {  	[sflag:s0] =	ssyncadd.s32 @!p0 s1  }
0xd3: {  	[bflag:$0x3] =	sbarrier.arrive $0xFFFF  }
0xd4: {  	_ =	shalt  }

</sc_bundles>
